<compile_context>
chip_gen: v7x
topology: tpu7x:2x2x1
jax: 0.10.2.dev20260603
libtpu: 0.0.44.dev20260713+nightly
codegen_flags: <defaults>
</compile_context>

<pallas_src>
import functools

import jax
import jax.numpy as jnp
from jax import lax
from jax.experimental import pallas as pl
from jax.experimental.pallas import tpu as pltpu
from jax.experimental.pallas import tpu_sc as plsc

N = 10000
E = 320000
FEAT = 128
HID = 64
MSG = 128

NC, NS = 2, 16
NW = NC * NS
EPW = E // NW
CHUNK = 80
NPAD = 10240
NPS = NPAD // NS

def _sc_mesh():
    return plsc.VectorSubcoreMesh(core_axis_name="c", subcore_axis_name="s",
                                  num_cores=NC, num_subcores=NS)


def _sc_gather(z_h, z_l, src, tgt, n_edges):
    epw = n_edges // NW

    @functools.partial(
        pl.kernel,
        out_type=(jax.ShapeDtypeStruct((n_edges, FEAT), jnp.float32),
                  jax.ShapeDtypeStruct((n_edges, FEAT), jnp.float32)),
        mesh=_sc_mesh(),
        scratch_types=[pltpu.VMEM((CHUNK,), jnp.int32),
                       pltpu.VMEM((CHUNK,), jnp.int32),
                       pltpu.VMEM((CHUNK, FEAT), jnp.float32),
                       pltpu.VMEM((CHUNK, FEAT), jnp.float32),
                       pltpu.SemaphoreType.DMA,
                       pltpu.SemaphoreType.DMA],
    )
    def gather_kernel(zh_hbm, zl_hbm, src_hbm, tgt_hbm, outs_hbm, outt_hbm,
                      idxs_v, idxt_v, rows_s, rows_t, sem_s, sem_t):
        wid = lax.axis_index("s") * NC + lax.axis_index("c")
        base = wid * epw

        @pl.loop(0, epw // CHUNK)
        def _(i):
            off = base + i * CHUNK
            pltpu.sync_copy(src_hbm.at[pl.ds(off, CHUNK)], idxs_v)
            pltpu.sync_copy(tgt_hbm.at[pl.ds(off, CHUNK)], idxt_v)
            cs = pltpu.async_copy(zh_hbm.at[idxs_v], rows_s, sem_s)
            ct = pltpu.async_copy(zl_hbm.at[idxt_v], rows_t, sem_t)
            cs.wait()
            ct.wait()
            pltpu.sync_copy(rows_s, outs_hbm.at[pl.ds(off, CHUNK)])
            pltpu.sync_copy(rows_t, outt_hbm.at[pl.ds(off, CHUNK)])

    return gather_kernel(z_h, z_l, src, tgt)


def _sc_scatter(msg, tgt, zeros, n_edges):
    epw = n_edges // NW

    @functools.partial(
        pl.kernel,
        out_type=jax.ShapeDtypeStruct((NC, NPAD, MSG), jnp.float32),
        mesh=_sc_mesh(),
        scratch_types=[pltpu.VMEM((1, CHUNK), jnp.int32),
                       pltpu.VMEM((CHUNK, MSG), jnp.float32),
                       pltpu.VMEM_SHARED((NPAD, MSG), jnp.float32),
                       pltpu.SemaphoreType.DMA],
    )
    def scatter_kernel(msg_hbm, tgt_hbm, zero_hbm, out_hbm,
                       idx_v, msg_v, acc_sh, sem):
        cid = lax.axis_index("c")
        sid = lax.axis_index("s")
        pltpu.sync_copy(zero_hbm.at[pl.ds(sid * NPS, NPS)],
                        acc_sh.at[pl.ds(sid * NPS, NPS)])
        plsc.subcore_barrier()
        base = (sid * NC + cid) * epw

        @pl.loop(0, epw // CHUNK)
        def _(i):
            off = base + i * CHUNK
            pltpu.sync_copy(tgt_hbm.at[pl.ds(off, CHUNK)], idx_v.at[0])
            pltpu.sync_copy(msg_hbm.at[pl.ds(off, CHUNK)], msg_v)
            pltpu.sync_copy(msg_v, acc_sh.at[idx_v.at[0]], add=True)

        plsc.subcore_barrier()
        pltpu.sync_copy(acc_sh.at[pl.ds(sid * NPS, NPS)],
                        out_hbm.at[cid].at[pl.ds(sid * NPS, NPS)])

    return scatter_kernel(msg, tgt, zeros)


def _dot(a, b):
    return lax.dot_general(a, b, (((1,), (0,)), ((), ())),
                           preferred_element_type=jnp.float32)


def _edge_body(gs_ref, gt_ref, w1cat_ref, b1cat_ref, wecat_t_ref,
               we2_ref, be2_ref, ww2_ref, bw2_ref, out_ref):
    s = gs_ref[...]
    t = gt_ref[...]

    st8 = jnp.concatenate([s[:, 0:8], t[:, 0:8]],
                          axis=1).astype(jnp.float32)
    st8_t = st8.T
    s_t = st8_t[0:8]
    t_t = st8_t[8:16]
    d = s_t[0:3] - t_t[0:3]
    dist = jnp.sum(d * d, axis=0, keepdims=True)
    a = s_t[3:6]
    b = t_t[3:6]
    c0 = a[1:2] * b[2:3] - a[2:3] * b[1:2]
    c1 = a[2:3] * b[0:1] - a[0:1] * b[2:3]
    c2 = a[0:1] * b[1:2] - a[1:2] * b[0:1]
    c = jnp.concatenate([c0, c1, c2], axis=0)
    absc = jnp.sqrt(jnp.sum(c * c, axis=0, keepdims=True))
    e8_t = jnp.concatenate([d, dist, c, absc], axis=0)
    ep_t = _dot(wecat_t_ref[...], e8_t)
    ep = ep_t.T

    x = jnp.concatenate([s, t], axis=1).astype(jnp.bfloat16)
    hcat = jnp.maximum(_dot(x, w1cat_ref[...]) + ep + b1cat_ref[...], 0.0)
    h = hcat[:, 0:HID]
    hw = hcat[:, HID:2 * HID]

    wlog = _dot(hw.astype(jnp.bfloat16), ww2_ref[...]) + bw2_ref[...]
    w = 1.0 / (1.0 + jnp.exp(-wlog))

    out_ref[...] = w * (_dot(h.astype(jnp.bfloat16), we2_ref[...])
                        + be2_ref[...])


def _tc_edge(gs, gt, W1cat, b1cat, WecatT, We2, be2, Ww2, bw2, n_edges, B):
    def wspec(shape):
        return pl.BlockSpec(shape, lambda i: (0,) * len(shape))

    return pl.pallas_call(
        _edge_body,
        grid=(n_edges // B,),
        in_specs=[pl.BlockSpec((B, FEAT), lambda i: (i, 0)),
                  pl.BlockSpec((B, FEAT), lambda i: (i, 0)),
                  wspec((2 * FEAT, 2 * HID)), wspec((1, 2 * HID)),
                  wspec((2 * HID, 8)),
                  wspec((HID, 128)), wspec((1, 128)),
                  wspec((HID, 1)), wspec((1, 1))],
        out_specs=pl.BlockSpec((B, MSG), lambda i: (i, 0)),
        out_shape=jax.ShapeDtypeStruct((n_edges, MSG), jnp.float32),
    )(gs, gt, W1cat, b1cat, WecatT, We2, be2, Ww2, bw2)


def _node_body(zl_ref, agg_ref, wn1a_ref, wn1b_ref, bn1_ref, wn2_ref, bn2_ref,
               out_ref):
    a = agg_ref[...]
    agg = jnp.sum(a, axis=0)
    h = jnp.maximum(_dot(zl_ref[...], wn1a_ref[...]) + _dot(agg, wn1b_ref[...])
                    + bn1_ref[...], 0.0)
    out_ref[...] = _dot(h, wn2_ref[...]) + bn2_ref[...]


def _tc_node(z_l, agg, Wn1a, Wn1b, bn1, Wn2, bn2):
    B = 1000
    P = agg.shape[0]

    def wspec(shape):
        return pl.BlockSpec(shape, lambda i: (0,) * len(shape))

    return pl.pallas_call(
        _node_body,
        grid=(N // B,),
        in_specs=[pl.BlockSpec((B, FEAT), lambda i: (i, 0)),
                  pl.BlockSpec((P, B, MSG), lambda i: (0, i, 0)),
                  wspec((FEAT, 64)), wspec((FEAT, 64)), wspec((1, 64)),
                  wspec((64, FEAT)), wspec((1, FEAT))],
        out_specs=pl.BlockSpec((B, FEAT), lambda i: (i, 0)),
        out_shape=jax.ShapeDtypeStruct((N, FEAT), jnp.float32),
    )(z_l, agg, Wn1a, Wn1b, bn1, Wn2, bn2)


@jax.jit
def kernel(z_h, z_l, edge_index_h_l, We1, be1, We2, be2, Ww1, bw1, Ww2, bw2,
           Wn1, bn1, Wn2, bn2):
    ei = edge_index_h_l.astype(jnp.int32)
    src = ei[0]
    tgt = ei[1]

    W1cat = jnp.concatenate([We1[:2 * FEAT], Ww1[:2 * FEAT]],
                            axis=1).astype(jnp.bfloat16)
    b1cat = jnp.concatenate([be1, bw1]).reshape(1, 2 * HID)
    WecatT = jnp.concatenate([We1[2 * FEAT:], Ww1[2 * FEAT:]], axis=1).T
    zeros = jnp.zeros((NPAD, MSG), jnp.float32)

    g = NW * CHUNK
    slices = ((0, 62 * g, 1984), (62 * g, 63 * g, 2016))
    aggs = []
    for off, ne, blk in slices:
        s_s = lax.dynamic_slice_in_dim(src, off, ne)
        t_s = lax.dynamic_slice_in_dim(tgt, off, ne)
        gs, gt = _sc_gather(z_h, z_l, s_s, t_s, ne)
        msg = _tc_edge(gs, gt, W1cat, b1cat, WecatT,
                       We2.astype(jnp.bfloat16), be2.reshape(1, 128),
                       Ww2.astype(jnp.bfloat16), bw2.reshape(1, 1), ne, blk)
        aggs.append(_sc_scatter(msg, t_s, zeros, ne))

    agg = jnp.concatenate(aggs, axis=0)
    return _tc_node(z_l, agg, Wn1[:FEAT], Wn1[FEAT:], bn1.reshape(1, 64),
                    Wn2, bn2.reshape(1, 128))

# --- scband reference (transcript-rebuilt; emitter-appended) ---
"""Pipeline reference for scband-gnn-h-l-46428596469877 (READ-ONLY COPY).

The authoritative reference and input builder live on the scoring server;
editing this copy changes nothing except your own understanding.
"""

import jax, jax.numpy as jnp
import numpy as np

FEAT = 128
MSG = 128
HID = 64
EDGE_DIM = 8
N = 10000
E = 320000


def _mk_linear(key, fan_in, fan_out):
    k1, k2 = jax.random.split(key)
    bound = 1.0 / np.sqrt(fan_in)
    W = jax.random.uniform(k1, (fan_in, fan_out), jnp.float32, -bound, bound)
    b = jax.random.uniform(k2, (fan_out,), jnp.float32, -bound, bound)
    return W, b


def setup_inputs(seed: int = 0) -> dict:
    key = jax.random.key(seed)
    ks = jax.random.split(key, 12)
    z_h = jax.random.normal(ks[0], (N, FEAT), jnp.float32)
    z_l = jax.random.normal(ks[1], (N, FEAT), jnp.float32)
    edge_index = jax.random.randint(ks[2], (2, E), 0, N, jnp.int64)
    in_edge = FEAT * 2 + EDGE_DIM
    We1, be1 = _mk_linear(ks[3], in_edge, HID)
    We2, be2 = _mk_linear(ks[4], HID, MSG)
    Ww1, bw1 = _mk_linear(ks[5], in_edge, HID)
    Ww2, bw2 = _mk_linear(ks[6], HID, 1)
    Wn1, bn1 = _mk_linear(ks[7], FEAT + MSG, HID)
    Wn2, bn2 = _mk_linear(ks[8], HID, FEAT)
    return {"z_h": z_h, "z_l": z_l, "edge_index_h_l": edge_index,
            "We1": We1, "be1": be1, "We2": We2, "be2": be2,
            "Ww1": Ww1, "bw1": bw1, "Ww2": Ww2, "bw2": bw2,
            "Wn1": Wn1, "bn1": bn1, "Wn2": Wn2, "bn2": bn2}


def _mlp(x, W1, b1, W2, b2):
    return jax.nn.relu(x @ W1 + b1) @ W2 + b2


def reference(z_h, z_l, edge_index_h_l, We1, be1, We2, be2, Ww1, bw1, Ww2, bw2, Wn1, bn1, Wn2, bn2):
    source = edge_index_h_l[0]
    target = edge_index_h_l[1]
    zh_s = jnp.take(z_h, source, axis=0)
    zl_t = jnp.take(z_l, target, axis=0)
    diff_hl = zh_s[:, 0:3] - zl_t[:, 0:3]
    dist_hl = jnp.sum(diff_hl ** 2, axis=-1, keepdims=True)
    vel_cross = jnp.cross(zh_s[:, 3:6], zl_t[:, 3:6])
    abs_cross = jnp.sqrt(jnp.sum(vel_cross ** 2, axis=-1, keepdims=True))
    e_h_l = jnp.concatenate([diff_hl, dist_hl, vel_cross, abs_cross], axis=-1)
    input_edge = jnp.concatenate([zh_s, zl_t, e_h_l], axis=-1)
    m_h_l = _mlp(input_edge, We1, be1, We2, be2)
    w_h_l = jax.nn.sigmoid(_mlp(input_edge, Ww1, bw1, Ww2, bw2))
    m_agg_l = jax.ops.segment_sum(w_h_l * m_h_l, target, num_segments=z_l.shape[0])
    input_node = jnp.concatenate([z_l, m_agg_l], axis=-1)
    delta_z_l = _mlp(input_node, Wn1, bn1, Wn2, bn2)
    return delta_z_l

if __name__ == "__main__":
    import jax
    _d = setup_inputs()
    print(jax.jit(kernel)(*tuple(_d.values())))

</pallas_src>

<mosaic_0001>
#map = affine_map<(d0, d1) -> (0, 0)>
#map1 = affine_map<(d0, d1) -> (0)>
module attributes {stable_mosaic.version = 14 : i64} {
  func.func @gather_kernel(%arg0: i32, %arg1: i32, %arg2: memref<10000x128xf32, #tpu.memory_space<hbm>>, %arg3: memref<10000x128xf32, #tpu.memory_space<hbm>>, %arg4: memref<161280xi32, #tpu.memory_space<hbm>>, %arg5: memref<161280xi32, #tpu.memory_space<hbm>>, %arg6: memref<161280x128xf32, #tpu.memory_space<hbm>>, %arg7: memref<161280x128xf32, #tpu.memory_space<hbm>>, %arg8: memref<80xi32, #tpu.memory_space<vmem>>, %arg9: memref<80xi32, #tpu.memory_space<vmem>>, %arg10: memref<80x128xf32, #tpu.memory_space<vmem>>, %arg11: memref<80x128xf32, #tpu.memory_space<vmem>>, %arg12: memref<!tpu.dma_semaphore, #tpu.memory_space<semaphore_mem>>, %arg13: memref<!tpu.dma_semaphore, #tpu.memory_space<semaphore_mem>>) attributes {dimension_semantics = [#tpu.dimension_semantics<core_parallel>, #tpu.dimension_semantics<subcore_parallel>], iteration_bounds = array<i64: 2, 16>, scalar_prefetch = 0 : i64, scratch_operands = 6 : i64, tpu.core_type = #tpu.core_type<sc_vector_subcore>, window_params = [{transform_indices = #map}, {transform_indices = #map}, {transform_indices = #map1}, {transform_indices = #map1}, {transform_indices = #map}, {transform_indices = #map}]} {
    %mul3A = arith.constant 2 : i32
    %mul3A_0 = arith.muli %arg1, %mul3A : i32
    %add3A = arith.addi %mul3A_0, %arg0 : i32
    %mul3A_1 = arith.constant 5040 : i32
    %mul3A_2 = arith.muli %add3A, %mul3A_1 : i32
    %scan3A = arith.constant 0 : i32
    %scan3A_3 = arith.constant 63 : i32
    %scan3A_4 = arith.addi %scan3A, %scan3A_3 : i32
    %scan3A_5 = arith.constant 1 : i32
    scf.for %scan3A_7 = %scan3A to %scan3A_4 step %scan3A_5  : i32 {
      %mul3A_8 = arith.constant 1 : i32
      %mul3A_9 = arith.muli %scan3A_7, %mul3A_8 : i32
      %add3A_10 = arith.constant 0 : i32
      %add3A_11 = arith.addi %add3A_10, %mul3A_9 : i32
      %mul3A_12 = arith.constant 80 : i32
      %mul3A_13 = arith.muli %add3A_11, %mul3A_12 : i32
      %add3A_14 = arith.addi %mul3A_2, %mul3A_13 : i32
      "tpu.region"() ({
        %run_scoped3A = tpu.sem_alloc : memref<!tpu.dma_semaphore, #tpu.memory_space<semaphore_mem>>
        %dma_start3A_25 = tpu.memref_slice %arg4[%add3A_14] : memref<161280xi32, #tpu.memory_space<hbm>> -> memref<80xi32, #tpu.memory_space<hbm>>
        %dma_start3A_26 = tpu.memref_slice %arg4[%add3A_14] : memref<161280xi32, #tpu.memory_space<hbm>> -> memref<80xi32, #tpu.memory_space<hbm>>
        tpu.enqueue_dma source(%dma_start3A_26 : memref<80xi32, #tpu.memory_space<hbm>>) target(%arg8 : memref<80xi32, #tpu.memory_space<vmem>>) target_semaphore(%run_scoped3A : memref<!tpu.dma_semaphore, #tpu.memory_space<semaphore_mem>>)
        %dma_wait3A_27 = tpu.memref_slice %arg4[%add3A_14] : memref<161280xi32, #tpu.memory_space<hbm>> -> memref<80xi32, #tpu.memory_space<hbm>>
        %dma_wait3A_28 = tpu.memref_slice %arg4[%add3A_14] : memref<161280xi32, #tpu.memory_space<hbm>> -> memref<80xi32, #tpu.memory_space<hbm>>
        tpu.wait_dma2 semaphore(%run_scoped3A : memref<!tpu.dma_semaphore, #tpu.memory_space<semaphore_mem>>) src(%dma_wait3A_28 : memref<80xi32, #tpu.memory_space<hbm>>) dst(%arg8 : memref<80xi32, #tpu.memory_space<vmem>>)
        tpu.yield
      }) : () -> ()
      "tpu.region"() ({
        %run_scoped3A = tpu.sem_alloc : memref<!tpu.dma_semaphore, #tpu.memory_space<semaphore_mem>>
        %dma_start3A_25 = tpu.memref_slice %arg5[%add3A_14] : memref<161280xi32, #tpu.memory_space<hbm>> -> memref<80xi32, #tpu.memory_space<hbm>>
        %dma_start3A_26 = tpu.memref_slice %arg5[%add3A_14] : memref<161280xi32, #tpu.memory_space<hbm>> -> memref<80xi32, #tpu.memory_space<hbm>>
        tpu.enqueue_dma source(%dma_start3A_26 : memref<80xi32, #tpu.memory_space<hbm>>) target(%arg9 : memref<80xi32, #tpu.memory_space<vmem>>) target_semaphore(%run_scoped3A : memref<!tpu.dma_semaphore, #tpu.memory_space<semaphore_mem>>)
        %dma_wait3A_27 = tpu.memref_slice %arg5[%add3A_14] : memref<161280xi32, #tpu.memory_space<hbm>> -> memref<80xi32, #tpu.memory_space<hbm>>
        %dma_wait3A_28 = tpu.memref_slice %arg5[%add3A_14] : memref<161280xi32, #tpu.memory_space<hbm>> -> memref<80xi32, #tpu.memory_space<hbm>>
        tpu.wait_dma2 semaphore(%run_scoped3A : memref<!tpu.dma_semaphore, #tpu.memory_space<semaphore_mem>>) src(%dma_wait3A_28 : memref<80xi32, #tpu.memory_space<hbm>>) dst(%arg9 : memref<80xi32, #tpu.memory_space<vmem>>)
        tpu.yield
      }) : () -> ()
      %dma_start3A = arith.constant 0 : i32
      %dma_start3A_15 = arith.constant 0 : i32
      %dma_start3A_16 = tpu.memref_slice %arg2[%dma_start3A, %dma_start3A_15] : memref<10000x128xf32, #tpu.memory_space<hbm>> -> memref<10000x128xf32, #tpu.memory_space<hbm>>
      tpu.enqueue_indirect_dma source(%dma_start3A_16 : memref<10000x128xf32, #tpu.memory_space<hbm>>) target(%arg10 : memref<80x128xf32, #tpu.memory_space<vmem>>) offsets(%arg8 : memref<80xi32, #tpu.memory_space<vmem>>) semaphore(%arg12 : memref<!tpu.dma_semaphore, #tpu.memory_space<semaphore_mem>>)
      %dma_start3A_17 = arith.constant 0 : i32
      %dma_start3A_18 = arith.constant 0 : i32
      %dma_start3A_19 = tpu.memref_slice %arg3[%dma_start3A_17, %dma_start3A_18] : memref<10000x128xf32, #tpu.memory_space<hbm>> -> memref<10000x128xf32, #tpu.memory_space<hbm>>
      tpu.enqueue_indirect_dma source(%dma_start3A_19 : memref<10000x128xf32, #tpu.memory_space<hbm>>) target(%arg11 : memref<80x128xf32, #tpu.memory_space<vmem>>) offsets(%arg9 : memref<80xi32, #tpu.memory_space<vmem>>) semaphore(%arg13 : memref<!tpu.dma_semaphore, #tpu.memory_space<semaphore_mem>>)
      %dma_wait3A = arith.constant 0 : i32
      %dma_wait3A_20 = arith.constant 0 : i32
      %dma_wait3A_21 = tpu.memref_slice %arg2[%dma_wait3A, %dma_wait3A_20] : memref<10000x128xf32, #tpu.memory_space<hbm>> -> memref<10000x128xf32, #tpu.memory_space<hbm>>
      tpu.wait_indirect_dma semaphore(%arg12 : memref<!tpu.dma_semaphore, #tpu.memory_space<semaphore_mem>>) src(%dma_wait3A_21 : memref<10000x128xf32, #tpu.memory_space<hbm>>) dst(%arg10 : memref<80x128xf32, #tpu.memory_space<vmem>>)
      %dma_wait3A_22 = arith.constant 0 : i32
      %dma_wait3A_23 = arith.constant 0 : i32
      %dma_wait3A_24 = tpu.memref_slice %arg3[%dma_wait3A_22, %dma_wait3A_23] : memref<10000x128xf32, #tpu.memory_space<hbm>> -> memref<10000x128xf32, #tpu.memory_space<hbm>>
      tpu.wait_indirect_dma semaphore(%arg13 : memref<!tpu.dma_semaphore, #tpu.memory_space<semaphore_mem>>) src(%dma_wait3A_24 : memref<10000x128xf32, #tpu.memory_space<hbm>>) dst(%arg11 : memref<80x128xf32, #tpu.memory_space<vmem>>)
      "tpu.region"() ({
        %run_scoped3A = tpu.sem_alloc : memref<!tpu.dma_semaphore, #tpu.memory_space<semaphore_mem>>
        %dma_start3A_25 = arith.constant 0 : i32
        %dma_start3A_26 = tpu.memref_slice %arg6[%add3A_14, %dma_start3A_25] : memref<161280x128xf32, #tpu.memory_space<hbm>> -> memref<80x128xf32, #tpu.memory_space<hbm>>
        %dma_start3A_27 = arith.constant 0 : i32
        %dma_start3A_28 = tpu.memref_slice %arg6[%add3A_14, %dma_start3A_27] : memref<161280x128xf32, #tpu.memory_space<hbm>> -> memref<80x128xf32, #tpu.memory_space<hbm>>
        tpu.enqueue_dma source(%arg10 : memref<80x128xf32, #tpu.memory_space<vmem>>) target(%dma_start3A_28 : memref<80x128xf32, #tpu.memory_space<hbm>>) target_semaphore(%run_scoped3A : memref<!tpu.dma_semaphore, #tpu.memory_space<semaphore_mem>>)
        %dma_wait3A_29 = arith.constant 0 : i32
        %dma_wait3A_30 = tpu.memref_slice %arg6[%add3A_14, %dma_wait3A_29] : memref<161280x128xf32, #tpu.memory_space<hbm>> -> memref<80x128xf32, #tpu.memory_space<hbm>>
        %dma_wait3A_31 = arith.constant 0 : i32
        %dma_wait3A_32 = tpu.memref_slice %arg6[%add3A_14, %dma_wait3A_31] : memref<161280x128xf32, #tpu.memory_space<hbm>> -> memref<80x128xf32, #tpu.memory_space<hbm>>
        tpu.wait_dma2 semaphore(%run_scoped3A : memref<!tpu.dma_semaphore, #tpu.memory_space<semaphore_mem>>) src(%arg10 : memref<80x128xf32, #tpu.memory_space<vmem>>) dst(%dma_wait3A_32 : memref<80x128xf32, #tpu.memory_space<hbm>>)
        tpu.yield
      }) : () -> ()
      "tpu.region"() ({
        %run_scoped3A = tpu.sem_alloc : memref<!tpu.dma_semaphore, #tpu.memory_space<semaphore_mem>>
        %dma_start3A_25 = arith.constant 0 : i32
        %dma_start3A_26 = tpu.memref_slice %arg7[%add3A_14, %dma_start3A_25] : memref<161280x128xf32, #tpu.memory_space<hbm>> -> memref<80x128xf32, #tpu.memory_space<hbm>>
        %dma_start3A_27 = arith.constant 0 : i32
        %dma_start3A_28 = tpu.memref_slice %arg7[%add3A_14, %dma_start3A_27] : memref<161280x128xf32, #tpu.memory_space<hbm>> -> memref<80x128xf32, #tpu.memory_space<hbm>>
        tpu.enqueue_dma source(%arg11 : memref<80x128xf32, #tpu.memory_space<vmem>>) target(%dma_start3A_28 : memref<80x128xf32, #tpu.memory_space<hbm>>) target_semaphore(%run_scoped3A : memref<!tpu.dma_semaphore, #tpu.memory_space<semaphore_mem>>)
        %dma_wait3A_29 = arith.constant 0 : i32
        %dma_wait3A_30 = tpu.memref_slice %arg7[%add3A_14, %dma_wait3A_29] : memref<161280x128xf32, #tpu.memory_space<hbm>> -> memref<80x128xf32, #tpu.memory_space<hbm>>
        %dma_wait3A_31 = arith.constant 0 : i32
        %dma_wait3A_32 = tpu.memref_slice %arg7[%add3A_14, %dma_wait3A_31] : memref<161280x128xf32, #tpu.memory_space<hbm>> -> memref<80x128xf32, #tpu.memory_space<hbm>>
        tpu.wait_dma2 semaphore(%run_scoped3A : memref<!tpu.dma_semaphore, #tpu.memory_space<semaphore_mem>>) src(%arg11 : memref<80x128xf32, #tpu.memory_space<vmem>>) dst(%dma_wait3A_32 : memref<80x128xf32, #tpu.memory_space<hbm>>)
        tpu.yield
      }) : () -> ()
    }
    %scan3A_6 = arith.constant 63 : i32
    return
  }
}

#map = affine_map<(d0, d1) -> (0, 0)>
#map1 = affine_map<(d0, d1) -> (0)>
#map2 = affine_map<(d0, d1) -> (0, 0, 0)>
module attributes {stable_mosaic.version = 14 : i64} {
  func.func @scatter_kernel(%arg0: i32, %arg1: i32, %arg2: memref<161280x128xf32, #tpu.memory_space<hbm>>, %arg3: memref<161280xi32, #tpu.memory_space<hbm>>, %arg4: memref<10240x128xf32, #tpu.memory_space<hbm>>, %arg5: memref<2x10240x128xf32, #tpu.memory_space<hbm>>, %arg6: memref<1x80xi32, #tpu.memory_space<vmem>>, %arg7: memref<80x128xf32, #tpu.memory_space<vmem>>, %arg8: memref<10240x128xf32, #tpu.memory_space<vmem_shared>>, %arg9: memref<!tpu.dma_semaphore, #tpu.memory_space<semaphore_mem>>) attributes {dimension_semantics = [#tpu.dimension_semantics<core_parallel>, #tpu.dimension_semantics<subcore_parallel>], iteration_bounds = array<i64: 2, 16>, scalar_prefetch = 0 : i64, scratch_operands = 4 : i64, tpu.core_type = #tpu.core_type<sc_vector_subcore>, window_params = [{transform_indices = #map}, {transform_indices = #map1}, {transform_indices = #map}, {transform_indices = #map2}]} {
    %mul3A = arith.constant 640 : i32
    %mul3A_0 = arith.muli %arg1, %mul3A : i32
    %mul3A_1 = arith.constant 640 : i32
    %mul3A_2 = arith.muli %arg1, %mul3A_1 : i32
    "tpu.region"() ({
      %run_scoped3A = tpu.sem_alloc : memref<!tpu.dma_semaphore, #tpu.memory_space<semaphore_mem>>
      %dma_start3A = arith.constant 0 : i32
      %dma_start3A_16 = tpu.memref_slice %arg8[%mul3A_2, %dma_start3A] : memref<10240x128xf32, #tpu.memory_space<vmem_shared>> -> memref<640x128xf32, #tpu.memory_space<vmem_shared>>
      %dma_start3A_17 = arith.constant 0 : i32
      %dma_start3A_18 = tpu.memref_slice %arg4[%mul3A_0, %dma_start3A_17] : memref<10240x128xf32, #tpu.memory_space<hbm>> -> memref<640x128xf32, #tpu.memory_space<hbm>>
      tpu.enqueue_dma source(%dma_start3A_18 : memref<640x128xf32, #tpu.memory_space<hbm>>) target(%dma_start3A_16 : memref<640x128xf32, #tpu.memory_space<vmem_shared>>) target_semaphore(%run_scoped3A : memref<!tpu.dma_semaphore, #tpu.memory_space<semaphore_mem>>)
      %dma_wait3A = arith.constant 0 : i32
      %dma_wait3A_19 = tpu.memref_slice %arg8[%mul3A_2, %dma_wait3A] : memref<10240x128xf32, #tpu.memory_space<vmem_shared>> -> memref<640x128xf32, #tpu.memory_space<vmem_shared>>
      %dma_wait3A_20 = arith.constant 0 : i32
      %dma_wait3A_21 = tpu.memref_slice %arg4[%mul3A_0, %dma_wait3A_20] : memref<10240x128xf32, #tpu.memory_space<hbm>> -> memref<640x128xf32, #tpu.memory_space<hbm>>
      tpu.wait_dma2 semaphore(%run_scoped3A : memref<!tpu.dma_semaphore, #tpu.memory_space<semaphore_mem>>) src(%dma_wait3A_21 : memref<640x128xf32, #tpu.memory_space<hbm>>) dst(%dma_wait3A_19 : memref<640x128xf32, #tpu.memory_space<vmem_shared>>)
      tpu.yield
    }) : () -> ()
    %barrier3A = arith.constant 0 : index
    tpu.barrier barrier_id(%barrier3A)
    %mul3A_3 = arith.constant 2 : i32
    %mul3A_4 = arith.muli %arg1, %mul3A_3 : i32
    %add3A = arith.addi %mul3A_4, %arg0 : i32
    %mul3A_5 = arith.constant 5040 : i32
    %mul3A_6 = arith.muli %add3A, %mul3A_5 : i32
    %scan3A = arith.constant 0 : i32
    %scan3A_7 = arith.constant 63 : i32
    %scan3A_8 = arith.addi %scan3A, %scan3A_7 : i32
    %scan3A_9 = arith.constant 1 : i32
    scf.for %scan3A_16 = %scan3A to %scan3A_8 step %scan3A_9  : i32 {
      %mul3A_17 = arith.constant 1 : i32
      %mul3A_18 = arith.muli %scan3A_16, %mul3A_17 : i32
      %add3A_19 = arith.constant 0 : i32
      %add3A_20 = arith.addi %add3A_19, %mul3A_18 : i32
      %mul3A_21 = arith.constant 80 : i32
      %mul3A_22 = arith.muli %add3A_20, %mul3A_21 : i32
      %add3A_23 = arith.addi %mul3A_6, %mul3A_22 : i32
      %run_scoped3A = arith.constant 0 : i32
      "tpu.region"() ({
        %run_scoped3A_25 = tpu.sem_alloc : memref<!tpu.dma_semaphore, #tpu.memory_space<semaphore_mem>>
        %dma_start3A = arith.constant 0 : i32
        %dma_start3A_26 = tpu.memref_slice %arg6[%run_scoped3A, %dma_start3A] : memref<1x80xi32, #tpu.memory_space<vmem>> -> memref<1x80xi32, #tpu.memory_space<vmem>>
        %dma_start3A_27 = tpu.memref_squeeze %dma_start3A_26 : memref<1x80xi32, #tpu.memory_space<vmem>> -> memref<80xi32, #tpu.memory_space<vmem>>
        %dma_start3A_28 = tpu.memref_slice %arg3[%add3A_23] : memref<161280xi32, #tpu.memory_space<hbm>> -> memref<80xi32, #tpu.memory_space<hbm>>
        %dma_start3A_29 = arith.constant 0 : i32
        %dma_start3A_30 = tpu.memref_slice %arg6[%run_scoped3A, %dma_start3A_29] : memref<1x80xi32, #tpu.memory_space<vmem>> -> memref<1x80xi32, #tpu.memory_space<vmem>>
        %dma_start3A_31 = tpu.memref_squeeze %dma_start3A_30 : memref<1x80xi32, #tpu.memory_space<vmem>> -> memref<80xi32, #tpu.memory_space<vmem>>
        %dma_start3A_32 = tpu.memref_slice %arg3[%add3A_23] : memref<161280xi32, #tpu.memory_space<hbm>> -> memref<80xi32, #tpu.memory_space<hbm>>
        tpu.enqueue_dma source(%dma_start3A_32 : memref<80xi32, #tpu.memory_space<hbm>>) target(%dma_start3A_31 : memref<80xi32, #tpu.memory_space<vmem>>) target_semaphore(%run_scoped3A_25 : memref<!tpu.dma_semaphore, #tpu.memory_space<semaphore_mem>>)
        %dma_wait3A = arith.constant 0 : i32
        %dma_wait3A_33 = tpu.memref_slice %arg6[%run_scoped3A, %dma_wait3A] : memref<1x80xi32, #tpu.memory_space<vmem>> -> memref<1x80xi32, #tpu.memory_space<vmem>>
        %dma_wait3A_34 = tpu.memref_squeeze %dma_wait3A_33 : memref<1x80xi32, #tpu.memory_space<vmem>> -> memref<80xi32, #tpu.memory_space<vmem>>
        %dma_wait3A_35 = tpu.memref_slice %arg3[%add3A_23] : memref<161280xi32, #tpu.memory_space<hbm>> -> memref<80xi32, #tpu.memory_space<hbm>>
        %dma_wait3A_36 = arith.constant 0 : i32
        %dma_wait3A_37 = tpu.memref_slice %arg6[%run_scoped3A, %dma_wait3A_36] : memref<1x80xi32, #tpu.memory_space<vmem>> -> memref<1x80xi32, #tpu.memory_space<vmem>>
        %dma_wait3A_38 = tpu.memref_squeeze %dma_wait3A_37 : memref<1x80xi32, #tpu.memory_space<vmem>> -> memref<80xi32, #tpu.memory_space<vmem>>
        %dma_wait3A_39 = tpu.memref_slice %arg3[%add3A_23] : memref<161280xi32, #tpu.memory_space<hbm>> -> memref<80xi32, #tpu.memory_space<hbm>>
        tpu.wait_dma2 semaphore(%run_scoped3A_25 : memref<!tpu.dma_semaphore, #tpu.memory_space<semaphore_mem>>) src(%dma_wait3A_39 : memref<80xi32, #tpu.memory_space<hbm>>) dst(%dma_wait3A_38 : memref<80xi32, #tpu.memory_space<vmem>>)
        tpu.yield
      }) : () -> ()
      "tpu.region"() ({
        %run_scoped3A_25 = tpu.sem_alloc : memref<!tpu.dma_semaphore, #tpu.memory_space<semaphore_mem>>
        %dma_start3A = arith.constant 0 : i32
        %dma_start3A_26 = tpu.memref_slice %arg2[%add3A_23, %dma_start3A] : memref<161280x128xf32, #tpu.memory_space<hbm>> -> memref<80x128xf32, #tpu.memory_space<hbm>>
        %dma_start3A_27 = arith.constant 0 : i32
        %dma_start3A_28 = tpu.memref_slice %arg2[%add3A_23, %dma_start3A_27] : memref<161280x128xf32, #tpu.memory_space<hbm>> -> memref<80x128xf32, #tpu.memory_space<hbm>>
        tpu.enqueue_dma source(%dma_start3A_28 : memref<80x128xf32, #tpu.memory_space<hbm>>) target(%arg7 : memref<80x128xf32, #tpu.memory_space<vmem>>) target_semaphore(%run_scoped3A_25 : memref<!tpu.dma_semaphore, #tpu.memory_space<semaphore_mem>>)
        %dma_wait3A = arith.constant 0 : i32
        %dma_wait3A_29 = tpu.memref_slice %arg2[%add3A_23, %dma_wait3A] : memref<161280x128xf32, #tpu.memory_space<hbm>> -> memref<80x128xf32, #tpu.memory_space<hbm>>
        %dma_wait3A_30 = arith.constant 0 : i32
        %dma_wait3A_31 = tpu.memref_slice %arg2[%add3A_23, %dma_wait3A_30] : memref<161280x128xf32, #tpu.memory_space<hbm>> -> memref<80x128xf32, #tpu.memory_space<hbm>>
        tpu.wait_dma2 semaphore(%run_scoped3A_25 : memref<!tpu.dma_semaphore, #tpu.memory_space<semaphore_mem>>) src(%dma_wait3A_31 : memref<80x128xf32, #tpu.memory_space<hbm>>) dst(%arg7 : memref<80x128xf32, #tpu.memory_space<vmem>>)
        tpu.yield
      }) : () -> ()
      %run_scoped3A_24 = arith.constant 0 : i32
      "tpu.region"() ({
        %run_scoped3A_25 = tpu.sem_alloc : memref<!tpu.dma_semaphore, #tpu.memory_space<semaphore_mem>>
        %dma_start3A = arith.constant 0 : i32
        %dma_start3A_26 = tpu.memref_slice %arg6[%run_scoped3A_24, %dma_start3A] : memref<1x80xi32, #tpu.memory_space<vmem>> -> memref<1x80xi32, #tpu.memory_space<vmem>>
        %dma_start3A_27 = tpu.memref_squeeze %dma_start3A_26 : memref<1x80xi32, #tpu.memory_space<vmem>> -> memref<80xi32, #tpu.memory_space<vmem>>
        %dma_start3A_28 = arith.constant 0 : i32
        %dma_start3A_29 = arith.constant 0 : i32
        %dma_start3A_30 = tpu.memref_slice %arg8[%dma_start3A_28, %dma_start3A_29] : memref<10240x128xf32, #tpu.memory_space<vmem_shared>> -> memref<10240x128xf32, #tpu.memory_space<vmem_shared>>
        tpu.enqueue_indirect_dma source(%arg7 : memref<80x128xf32, #tpu.memory_space<vmem>>) target(%dma_start3A_30 : memref<10240x128xf32, #tpu.memory_space<vmem_shared>>) offsets(%dma_start3A_27 : memref<80xi32, #tpu.memory_space<vmem>>) semaphore(%run_scoped3A_25 : memref<!tpu.dma_semaphore, #tpu.memory_space<semaphore_mem>>) {add = true}
        %dma_wait3A = arith.constant 0 : i32
        %dma_wait3A_31 = tpu.memref_slice %arg6[%run_scoped3A_24, %dma_wait3A] : memref<1x80xi32, #tpu.memory_space<vmem>> -> memref<1x80xi32, #tpu.memory_space<vmem>>
        %dma_wait3A_32 = tpu.memref_squeeze %dma_wait3A_31 : memref<1x80xi32, #tpu.memory_space<vmem>> -> memref<80xi32, #tpu.memory_space<vmem>>
        %dma_wait3A_33 = arith.constant 0 : i32
        %dma_wait3A_34 = arith.constant 0 : i32
        %dma_wait3A_35 = tpu.memref_slice %arg8[%dma_wait3A_33, %dma_wait3A_34] : memref<10240x128xf32, #tpu.memory_space<vmem_shared>> -> memref<10240x128xf32, #tpu.memory_space<vmem_shared>>
        tpu.wait_indirect_dma semaphore(%run_scoped3A_25 : memref<!tpu.dma_semaphore, #tpu.memory_space<semaphore_mem>>) src(%arg7 : memref<80x128xf32, #tpu.memory_space<vmem>>) dst(%dma_wait3A_35 : memref<10240x128xf32, #tpu.memory_space<vmem_shared>>)
        tpu.yield
      }) : () -> ()
    }
    %scan3A_10 = arith.constant 63 : i32
    %barrier3A_11 = arith.constant 0 : index
    tpu.barrier barrier_id(%barrier3A_11)
    %mul3A_12 = arith.constant 640 : i32
    %mul3A_13 = arith.muli %arg1, %mul3A_12 : i32
    %mul3A_14 = arith.constant 640 : i32
    %mul3A_15 = arith.muli %arg1, %mul3A_14 : i32
    "tpu.region"() ({
      %run_scoped3A = tpu.sem_alloc : memref<!tpu.dma_semaphore, #tpu.memory_space<semaphore_mem>>
      %dma_start3A = arith.constant 0 : i32
      %dma_start3A_16 = arith.constant 0 : i32
      %dma_start3A_17 = tpu.memref_slice %arg5[%arg0, %dma_start3A, %dma_start3A_16] : memref<2x10240x128xf32, #tpu.memory_space<hbm>> -> memref<1x10240x128xf32, #tpu.memory_space<hbm>>
      %dma_start3A_18 = tpu.memref_squeeze %dma_start3A_17 : memref<1x10240x128xf32, #tpu.memory_space<hbm>> -> memref<10240x128xf32, #tpu.memory_space<hbm>>
      %dma_start3A_19 = arith.constant 0 : i32
      %dma_start3A_20 = tpu.memref_slice %dma_start3A_18[%mul3A_15, %dma_start3A_19] : memref<10240x128xf32, #tpu.memory_space<hbm>> -> memref<640x128xf32, #tpu.memory_space<hbm>>
      %dma_start3A_21 = arith.constant 0 : i32
      %dma_start3A_22 = tpu.memref_slice %arg8[%mul3A_13, %dma_start3A_21] : memref<10240x128xf32, #tpu.memory_space<vmem_shared>> -> memref<640x128xf32, #tpu.memory_space<vmem_shared>>
      tpu.enqueue_dma source(%dma_start3A_22 : memref<640x128xf32, #tpu.memory_space<vmem_shared>>) target(%dma_start3A_20 : memref<640x128xf32, #tpu.memory_space<hbm>>) target_semaphore(%run_scoped3A : memref<!tpu.dma_semaphore, #tpu.memory_space<semaphore_mem>>)
      %dma_wait3A = arith.constant 0 : i32
      %dma_wait3A_23 = arith.constant 0 : i32
      %dma_wait3A_24 = tpu.memref_slice %arg5[%arg0, %dma_wait3A, %dma_wait3A_23] : memref<2x10240x128xf32, #tpu.memory_space<hbm>> -> memref<1x10240x128xf32, #tpu.memory_space<hbm>>
      %dma_wait3A_25 = tpu.memref_squeeze %dma_wait3A_24 : memref<1x10240x128xf32, #tpu.memory_space<hbm>> -> memref<10240x128xf32, #tpu.memory_space<hbm>>
      %dma_wait3A_26 = arith.constant 0 : i32
      %dma_wait3A_27 = tpu.memref_slice %dma_wait3A_25[%mul3A_15, %dma_wait3A_26] : memref<10240x128xf32, #tpu.memory_space<hbm>> -> memref<640x128xf32, #tpu.memory_space<hbm>>
      %dma_wait3A_28 = arith.constant 0 : i32
      %dma_wait3A_29 = tpu.memref_slice %arg8[%mul3A_13, %dma_wait3A_28] : memref<10240x128xf32, #tpu.memory_space<vmem_shared>> -> memref<640x128xf32, #tpu.memory_space<vmem_shared>>
      tpu.wait_dma2 semaphore(%run_scoped3A : memref<!tpu.dma_semaphore, #tpu.memory_space<semaphore_mem>>) src(%dma_wait3A_29 : memref<640x128xf32, #tpu.memory_space<vmem_shared>>) dst(%dma_wait3A_27 : memref<640x128xf32, #tpu.memory_space<hbm>>)
      tpu.yield
    }) : () -> ()
    return
  }
}

#map = affine_map<(d0, d1) -> (0, 0)>
#map1 = affine_map<(d0, d1) -> (0)>
#map2 = affine_map<(d0, d1) -> (0, 0, 0)>
module attributes {stable_mosaic.version = 14 : i64} {
  func.func @scatter_kernel(%arg0: i32, %arg1: i32, %arg2: memref<158720x128xf32, #tpu.memory_space<hbm>>, %arg3: memref<158720xi32, #tpu.memory_space<hbm>>, %arg4: memref<10240x128xf32, #tpu.memory_space<hbm>>, %arg5: memref<2x10240x128xf32, #tpu.memory_space<hbm>>, %arg6: memref<1x80xi32, #tpu.memory_space<vmem>>, %arg7: memref<80x128xf32, #tpu.memory_space<vmem>>, %arg8: memref<10240x128xf32, #tpu.memory_space<vmem_shared>>, %arg9: memref<!tpu.dma_semaphore, #tpu.memory_space<semaphore_mem>>) attributes {dimension_semantics = [#tpu.dimension_semantics<core_parallel>, #tpu.dimension_semantics<subcore_parallel>], iteration_bounds = array<i64: 2, 16>, scalar_prefetch = 0 : i64, scratch_operands = 4 : i64, tpu.core_type = #tpu.core_type<sc_vector_subcore>, window_params = [{transform_indices = #map}, {transform_indices = #map1}, {transform_indices = #map}, {transform_indices = #map2}]} {
    %mul3A = arith.constant 640 : i32
    %mul3A_0 = arith.muli %arg1, %mul3A : i32
    %mul3A_1 = arith.constant 640 : i32
    %mul3A_2 = arith.muli %arg1, %mul3A_1 : i32
    "tpu.region"() ({
      %run_scoped3A = tpu.sem_alloc : memref<!tpu.dma_semaphore, #tpu.memory_space<semaphore_mem>>
      %dma_start3A = arith.constant 0 : i32
      %dma_start3A_16 = tpu.memref_slice %arg8[%mul3A_2, %dma_start3A] : memref<10240x128xf32, #tpu.memory_space<vmem_shared>> -> memref<640x128xf32, #tpu.memory_space<vmem_shared>>
      %dma_start3A_17 = arith.constant 0 : i32
      %dma_start3A_18 = tpu.memref_slice %arg4[%mul3A_0, %dma_start3A_17] : memref<10240x128xf32, #tpu.memory_space<hbm>> -> memref<640x128xf32, #tpu.memory_space<hbm>>
      tpu.enqueue_dma source(%dma_start3A_18 : memref<640x128xf32, #tpu.memory_space<hbm>>) target(%dma_start3A_16 : memref<640x128xf32, #tpu.memory_space<vmem_shared>>) target_semaphore(%run_scoped3A : memref<!tpu.dma_semaphore, #tpu.memory_space<semaphore_mem>>)
      %dma_wait3A = arith.constant 0 : i32
      %dma_wait3A_19 = tpu.memref_slice %arg8[%mul3A_2, %dma_wait3A] : memref<10240x128xf32, #tpu.memory_space<vmem_shared>> -> memref<640x128xf32, #tpu.memory_space<vmem_shared>>
      %dma_wait3A_20 = arith.constant 0 : i32
      %dma_wait3A_21 = tpu.memref_slice %arg4[%mul3A_0, %dma_wait3A_20] : memref<10240x128xf32, #tpu.memory_space<hbm>> -> memref<640x128xf32, #tpu.memory_space<hbm>>
      tpu.wait_dma2 semaphore(%run_scoped3A : memref<!tpu.dma_semaphore, #tpu.memory_space<semaphore_mem>>) src(%dma_wait3A_21 : memref<640x128xf32, #tpu.memory_space<hbm>>) dst(%dma_wait3A_19 : memref<640x128xf32, #tpu.memory_space<vmem_shared>>)
      tpu.yield
    }) : () -> ()
    %barrier3A = arith.constant 0 : index
    tpu.barrier barrier_id(%barrier3A)
    %mul3A_3 = arith.constant 2 : i32
    %mul3A_4 = arith.muli %arg1, %mul3A_3 : i32
    %add3A = arith.addi %mul3A_4, %arg0 : i32
    %mul3A_5 = arith.constant 4960 : i32
    %mul3A_6 = arith.muli %add3A, %mul3A_5 : i32
    %scan3A = arith.constant 0 : i32
    %scan3A_7 = arith.constant 62 : i32
    %scan3A_8 = arith.addi %scan3A, %scan3A_7 : i32
    %scan3A_9 = arith.constant 1 : i32
    scf.for %scan3A_16 = %scan3A to %scan3A_8 step %scan3A_9  : i32 {
      %mul3A_17 = arith.constant 1 : i32
      %mul3A_18 = arith.muli %scan3A_16, %mul3A_17 : i32
      %add3A_19 = arith.constant 0 : i32
      %add3A_20 = arith.addi %add3A_19, %mul3A_18 : i32
      %mul3A_21 = arith.constant 80 : i32
      %mul3A_22 = arith.muli %add3A_20, %mul3A_21 : i32
      %add3A_23 = arith.addi %mul3A_6, %mul3A_22 : i32
      %run_scoped3A = arith.constant 0 : i32
      "tpu.region"() ({
        %run_scoped3A_25 = tpu.sem_alloc : memref<!tpu.dma_semaphore, #tpu.memory_space<semaphore_mem>>
        %dma_start3A = arith.constant 0 : i32
        %dma_start3A_26 = tpu.memref_slice %arg6[%run_scoped3A, %dma_start3A] : memref<1x80xi32, #tpu.memory_space<vmem>> -> memref<1x80xi32, #tpu.memory_space<vmem>>
        %dma_start3A_27 = tpu.memref_squeeze %dma_start3A_26 : memref<1x80xi32, #tpu.memory_space<vmem>> -> memref<80xi32, #tpu.memory_space<vmem>>
        %dma_start3A_28 = tpu.memref_slice %arg3[%add3A_23] : memref<158720xi32, #tpu.memory_space<hbm>> -> memref<80xi32, #tpu.memory_space<hbm>>
        %dma_start3A_29 = arith.constant 0 : i32
        %dma_start3A_30 = tpu.memref_slice %arg6[%run_scoped3A, %dma_start3A_29] : memref<1x80xi32, #tpu.memory_space<vmem>> -> memref<1x80xi32, #tpu.memory_space<vmem>>
        %dma_start3A_31 = tpu.memref_squeeze %dma_start3A_30 : memref<1x80xi32, #tpu.memory_space<vmem>> -> memref<80xi32, #tpu.memory_space<vmem>>
        %dma_start3A_32 = tpu.memref_slice %arg3[%add3A_23] : memref<158720xi32, #tpu.memory_space<hbm>> -> memref<80xi32, #tpu.memory_space<hbm>>
        tpu.enqueue_dma source(%dma_start3A_32 : memref<80xi32, #tpu.memory_space<hbm>>) target(%dma_start3A_31 : memref<80xi32, #tpu.memory_space<vmem>>) target_semaphore(%run_scoped3A_25 : memref<!tpu.dma_semaphore, #tpu.memory_space<semaphore_mem>>)
        %dma_wait3A = arith.constant 0 : i32
        %dma_wait3A_33 = tpu.memref_slice %arg6[%run_scoped3A, %dma_wait3A] : memref<1x80xi32, #tpu.memory_space<vmem>> -> memref<1x80xi32, #tpu.memory_space<vmem>>
        %dma_wait3A_34 = tpu.memref_squeeze %dma_wait3A_33 : memref<1x80xi32, #tpu.memory_space<vmem>> -> memref<80xi32, #tpu.memory_space<vmem>>
        %dma_wait3A_35 = tpu.memref_slice %arg3[%add3A_23] : memref<158720xi32, #tpu.memory_space<hbm>> -> memref<80xi32, #tpu.memory_space<hbm>>
        %dma_wait3A_36 = arith.constant 0 : i32
        %dma_wait3A_37 = tpu.memref_slice %arg6[%run_scoped3A, %dma_wait3A_36] : memref<1x80xi32, #tpu.memory_space<vmem>> -> memref<1x80xi32, #tpu.memory_space<vmem>>
        %dma_wait3A_38 = tpu.memref_squeeze %dma_wait3A_37 : memref<1x80xi32, #tpu.memory_space<vmem>> -> memref<80xi32, #tpu.memory_space<vmem>>
        %dma_wait3A_39 = tpu.memref_slice %arg3[%add3A_23] : memref<158720xi32, #tpu.memory_space<hbm>> -> memref<80xi32, #tpu.memory_space<hbm>>
        tpu.wait_dma2 semaphore(%run_scoped3A_25 : memref<!tpu.dma_semaphore, #tpu.memory_space<semaphore_mem>>) src(%dma_wait3A_39 : memref<80xi32, #tpu.memory_space<hbm>>) dst(%dma_wait3A_38 : memref<80xi32, #tpu.memory_space<vmem>>)
        tpu.yield
      }) : () -> ()
      "tpu.region"() ({
        %run_scoped3A_25 = tpu.sem_alloc : memref<!tpu.dma_semaphore, #tpu.memory_space<semaphore_mem>>
        %dma_start3A = arith.constant 0 : i32
        %dma_start3A_26 = tpu.memref_slice %arg2[%add3A_23, %dma_start3A] : memref<158720x128xf32, #tpu.memory_space<hbm>> -> memref<80x128xf32, #tpu.memory_space<hbm>>
        %dma_start3A_27 = arith.constant 0 : i32
        %dma_start3A_28 = tpu.memref_slice %arg2[%add3A_23, %dma_start3A_27] : memref<158720x128xf32, #tpu.memory_space<hbm>> -> memref<80x128xf32, #tpu.memory_space<hbm>>
        tpu.enqueue_dma source(%dma_start3A_28 : memref<80x128xf32, #tpu.memory_space<hbm>>) target(%arg7 : memref<80x128xf32, #tpu.memory_space<vmem>>) target_semaphore(%run_scoped3A_25 : memref<!tpu.dma_semaphore, #tpu.memory_space<semaphore_mem>>)
        %dma_wait3A = arith.constant 0 : i32
        %dma_wait3A_29 = tpu.memref_slice %arg2[%add3A_23, %dma_wait3A] : memref<158720x128xf32, #tpu.memory_space<hbm>> -> memref<80x128xf32, #tpu.memory_space<hbm>>
        %dma_wait3A_30 = arith.constant 0 : i32
        %dma_wait3A_31 = tpu.memref_slice %arg2[%add3A_23, %dma_wait3A_30] : memref<158720x128xf32, #tpu.memory_space<hbm>> -> memref<80x128xf32, #tpu.memory_space<hbm>>
        tpu.wait_dma2 semaphore(%run_scoped3A_25 : memref<!tpu.dma_semaphore, #tpu.memory_space<semaphore_mem>>) src(%dma_wait3A_31 : memref<80x128xf32, #tpu.memory_space<hbm>>) dst(%arg7 : memref<80x128xf32, #tpu.memory_space<vmem>>)
        tpu.yield
      }) : () -> ()
      %run_scoped3A_24 = arith.constant 0 : i32
      "tpu.region"() ({
        %run_scoped3A_25 = tpu.sem_alloc : memref<!tpu.dma_semaphore, #tpu.memory_space<semaphore_mem>>
        %dma_start3A = arith.constant 0 : i32
        %dma_start3A_26 = tpu.memref_slice %arg6[%run_scoped3A_24, %dma_start3A] : memref<1x80xi32, #tpu.memory_space<vmem>> -> memref<1x80xi32, #tpu.memory_space<vmem>>
        %dma_start3A_27 = tpu.memref_squeeze %dma_start3A_26 : memref<1x80xi32, #tpu.memory_space<vmem>> -> memref<80xi32, #tpu.memory_space<vmem>>
        %dma_start3A_28 = arith.constant 0 : i32
        %dma_start3A_29 = arith.constant 0 : i32
        %dma_start3A_30 = tpu.memref_slice %arg8[%dma_start3A_28, %dma_start3A_29] : memref<10240x128xf32, #tpu.memory_space<vmem_shared>> -> memref<10240x128xf32, #tpu.memory_space<vmem_shared>>
        tpu.enqueue_indirect_dma source(%arg7 : memref<80x128xf32, #tpu.memory_space<vmem>>) target(%dma_start3A_30 : memref<10240x128xf32, #tpu.memory_space<vmem_shared>>) offsets(%dma_start3A_27 : memref<80xi32, #tpu.memory_space<vmem>>) semaphore(%run_scoped3A_25 : memref<!tpu.dma_semaphore, #tpu.memory_space<semaphore_mem>>) {add = true}
        %dma_wait3A = arith.constant 0 : i32
        %dma_wait3A_31 = tpu.memref_slice %arg6[%run_scoped3A_24, %dma_wait3A] : memref<1x80xi32, #tpu.memory_space<vmem>> -> memref<1x80xi32, #tpu.memory_space<vmem>>
        %dma_wait3A_32 = tpu.memref_squeeze %dma_wait3A_31 : memref<1x80xi32, #tpu.memory_space<vmem>> -> memref<80xi32, #tpu.memory_space<vmem>>
        %dma_wait3A_33 = arith.constant 0 : i32
        %dma_wait3A_34 = arith.constant 0 : i32
        %dma_wait3A_35 = tpu.memref_slice %arg8[%dma_wait3A_33, %dma_wait3A_34] : memref<10240x128xf32, #tpu.memory_space<vmem_shared>> -> memref<10240x128xf32, #tpu.memory_space<vmem_shared>>
        tpu.wait_indirect_dma semaphore(%run_scoped3A_25 : memref<!tpu.dma_semaphore, #tpu.memory_space<semaphore_mem>>) src(%arg7 : memref<80x128xf32, #tpu.memory_space<vmem>>) dst(%dma_wait3A_35 : memref<10240x128xf32, #tpu.memory_space<vmem_shared>>)
        tpu.yield
      }) : () -> ()
    }
    %scan3A_10 = arith.constant 62 : i32
    %barrier3A_11 = arith.constant 0 : index
    tpu.barrier barrier_id(%barrier3A_11)
    %mul3A_12 = arith.constant 640 : i32
    %mul3A_13 = arith.muli %arg1, %mul3A_12 : i32
    %mul3A_14 = arith.constant 640 : i32
    %mul3A_15 = arith.muli %arg1, %mul3A_14 : i32
    "tpu.region"() ({
      %run_scoped3A = tpu.sem_alloc : memref<!tpu.dma_semaphore, #tpu.memory_space<semaphore_mem>>
      %dma_start3A = arith.constant 0 : i32
      %dma_start3A_16 = arith.constant 0 : i32
      %dma_start3A_17 = tpu.memref_slice %arg5[%arg0, %dma_start3A, %dma_start3A_16] : memref<2x10240x128xf32, #tpu.memory_space<hbm>> -> memref<1x10240x128xf32, #tpu.memory_space<hbm>>
      %dma_start3A_18 = tpu.memref_squeeze %dma_start3A_17 : memref<1x10240x128xf32, #tpu.memory_space<hbm>> -> memref<10240x128xf32, #tpu.memory_space<hbm>>
      %dma_start3A_19 = arith.constant 0 : i32
      %dma_start3A_20 = tpu.memref_slice %dma_start3A_18[%mul3A_15, %dma_start3A_19] : memref<10240x128xf32, #tpu.memory_space<hbm>> -> memref<640x128xf32, #tpu.memory_space<hbm>>
      %dma_start3A_21 = arith.constant 0 : i32
      %dma_start3A_22 = tpu.memref_slice %arg8[%mul3A_13, %dma_start3A_21] : memref<10240x128xf32, #tpu.memory_space<vmem_shared>> -> memref<640x128xf32, #tpu.memory_space<vmem_shared>>
      tpu.enqueue_dma source(%dma_start3A_22 : memref<640x128xf32, #tpu.memory_space<vmem_shared>>) target(%dma_start3A_20 : memref<640x128xf32, #tpu.memory_space<hbm>>) target_semaphore(%run_scoped3A : memref<!tpu.dma_semaphore, #tpu.memory_space<semaphore_mem>>)
      %dma_wait3A = arith.constant 0 : i32
      %dma_wait3A_23 = arith.constant 0 : i32
      %dma_wait3A_24 = tpu.memref_slice %arg5[%arg0, %dma_wait3A, %dma_wait3A_23] : memref<2x10240x128xf32, #tpu.memory_space<hbm>> -> memref<1x10240x128xf32, #tpu.memory_space<hbm>>
      %dma_wait3A_25 = tpu.memref_squeeze %dma_wait3A_24 : memref<1x10240x128xf32, #tpu.memory_space<hbm>> -> memref<10240x128xf32, #tpu.memory_space<hbm>>
      %dma_wait3A_26 = arith.constant 0 : i32
      %dma_wait3A_27 = tpu.memref_slice %dma_wait3A_25[%mul3A_15, %dma_wait3A_26] : memref<10240x128xf32, #tpu.memory_space<hbm>> -> memref<640x128xf32, #tpu.memory_space<hbm>>
      %dma_wait3A_28 = arith.constant 0 : i32
      %dma_wait3A_29 = tpu.memref_slice %arg8[%mul3A_13, %dma_wait3A_28] : memref<10240x128xf32, #tpu.memory_space<vmem_shared>> -> memref<640x128xf32, #tpu.memory_space<vmem_shared>>
      tpu.wait_dma2 semaphore(%run_scoped3A : memref<!tpu.dma_semaphore, #tpu.memory_space<semaphore_mem>>) src(%dma_wait3A_29 : memref<640x128xf32, #tpu.memory_space<vmem_shared>>) dst(%dma_wait3A_27 : memref<640x128xf32, #tpu.memory_space<hbm>>)
      tpu.yield
    }) : () -> ()
    return
  }
}

#map = affine_map<(d0, d1) -> (0, 0)>
#map1 = affine_map<(d0, d1) -> (0)>
module attributes {stable_mosaic.version = 14 : i64} {
  func.func @gather_kernel(%arg0: i32, %arg1: i32, %arg2: memref<10000x128xf32, #tpu.memory_space<hbm>>, %arg3: memref<10000x128xf32, #tpu.memory_space<hbm>>, %arg4: memref<158720xi32, #tpu.memory_space<hbm>>, %arg5: memref<158720xi32, #tpu.memory_space<hbm>>, %arg6: memref<158720x128xf32, #tpu.memory_space<hbm>>, %arg7: memref<158720x128xf32, #tpu.memory_space<hbm>>, %arg8: memref<80xi32, #tpu.memory_space<vmem>>, %arg9: memref<80xi32, #tpu.memory_space<vmem>>, %arg10: memref<80x128xf32, #tpu.memory_space<vmem>>, %arg11: memref<80x128xf32, #tpu.memory_space<vmem>>, %arg12: memref<!tpu.dma_semaphore, #tpu.memory_space<semaphore_mem>>, %arg13: memref<!tpu.dma_semaphore, #tpu.memory_space<semaphore_mem>>) attributes {dimension_semantics = [#tpu.dimension_semantics<core_parallel>, #tpu.dimension_semantics<subcore_parallel>], iteration_bounds = array<i64: 2, 16>, scalar_prefetch = 0 : i64, scratch_operands = 6 : i64, tpu.core_type = #tpu.core_type<sc_vector_subcore>, window_params = [{transform_indices = #map}, {transform_indices = #map}, {transform_indices = #map1}, {transform_indices = #map1}, {transform_indices = #map}, {transform_indices = #map}]} {
    %mul3A = arith.constant 2 : i32
    %mul3A_0 = arith.muli %arg1, %mul3A : i32
    %add3A = arith.addi %mul3A_0, %arg0 : i32
    %mul3A_1 = arith.constant 4960 : i32
    %mul3A_2 = arith.muli %add3A, %mul3A_1 : i32
    %scan3A = arith.constant 0 : i32
    %scan3A_3 = arith.constant 62 : i32
    %scan3A_4 = arith.addi %scan3A, %scan3A_3 : i32
    %scan3A_5 = arith.constant 1 : i32
    scf.for %scan3A_7 = %scan3A to %scan3A_4 step %scan3A_5  : i32 {
      %mul3A_8 = arith.constant 1 : i32
      %mul3A_9 = arith.muli %scan3A_7, %mul3A_8 : i32
      %add3A_10 = arith.constant 0 : i32
      %add3A_11 = arith.addi %add3A_10, %mul3A_9 : i32
      %mul3A_12 = arith.constant 80 : i32
      %mul3A_13 = arith.muli %add3A_11, %mul3A_12 : i32
      %add3A_14 = arith.addi %mul3A_2, %mul3A_13 : i32
      "tpu.region"() ({
        %run_scoped3A = tpu.sem_alloc : memref<!tpu.dma_semaphore, #tpu.memory_space<semaphore_mem>>
        %dma_start3A_25 = tpu.memref_slice %arg4[%add3A_14] : memref<158720xi32, #tpu.memory_space<hbm>> -> memref<80xi32, #tpu.memory_space<hbm>>
        %dma_start3A_26 = tpu.memref_slice %arg4[%add3A_14] : memref<158720xi32, #tpu.memory_space<hbm>> -> memref<80xi32, #tpu.memory_space<hbm>>
        tpu.enqueue_dma source(%dma_start3A_26 : memref<80xi32, #tpu.memory_space<hbm>>) target(%arg8 : memref<80xi32, #tpu.memory_space<vmem>>) target_semaphore(%run_scoped3A : memref<!tpu.dma_semaphore, #tpu.memory_space<semaphore_mem>>)
        %dma_wait3A_27 = tpu.memref_slice %arg4[%add3A_14] : memref<158720xi32, #tpu.memory_space<hbm>> -> memref<80xi32, #tpu.memory_space<hbm>>
        %dma_wait3A_28 = tpu.memref_slice %arg4[%add3A_14] : memref<158720xi32, #tpu.memory_space<hbm>> -> memref<80xi32, #tpu.memory_space<hbm>>
        tpu.wait_dma2 semaphore(%run_scoped3A : memref<!tpu.dma_semaphore, #tpu.memory_space<semaphore_mem>>) src(%dma_wait3A_28 : memref<80xi32, #tpu.memory_space<hbm>>) dst(%arg8 : memref<80xi32, #tpu.memory_space<vmem>>)
        tpu.yield
      }) : () -> ()
      "tpu.region"() ({
        %run_scoped3A = tpu.sem_alloc : memref<!tpu.dma_semaphore, #tpu.memory_space<semaphore_mem>>
        %dma_start3A_25 = tpu.memref_slice %arg5[%add3A_14] : memref<158720xi32, #tpu.memory_space<hbm>> -> memref<80xi32, #tpu.memory_space<hbm>>
        %dma_start3A_26 = tpu.memref_slice %arg5[%add3A_14] : memref<158720xi32, #tpu.memory_space<hbm>> -> memref<80xi32, #tpu.memory_space<hbm>>
        tpu.enqueue_dma source(%dma_start3A_26 : memref<80xi32, #tpu.memory_space<hbm>>) target(%arg9 : memref<80xi32, #tpu.memory_space<vmem>>) target_semaphore(%run_scoped3A : memref<!tpu.dma_semaphore, #tpu.memory_space<semaphore_mem>>)
        %dma_wait3A_27 = tpu.memref_slice %arg5[%add3A_14] : memref<158720xi32, #tpu.memory_space<hbm>> -> memref<80xi32, #tpu.memory_space<hbm>>
        %dma_wait3A_28 = tpu.memref_slice %arg5[%add3A_14] : memref<158720xi32, #tpu.memory_space<hbm>> -> memref<80xi32, #tpu.memory_space<hbm>>
        tpu.wait_dma2 semaphore(%run_scoped3A : memref<!tpu.dma_semaphore, #tpu.memory_space<semaphore_mem>>) src(%dma_wait3A_28 : memref<80xi32, #tpu.memory_space<hbm>>) dst(%arg9 : memref<80xi32, #tpu.memory_space<vmem>>)
        tpu.yield
      }) : () -> ()
      %dma_start3A = arith.constant 0 : i32
      %dma_start3A_15 = arith.constant 0 : i32
      %dma_start3A_16 = tpu.memref_slice %arg2[%dma_start3A, %dma_start3A_15] : memref<10000x128xf32, #tpu.memory_space<hbm>> -> memref<10000x128xf32, #tpu.memory_space<hbm>>
      tpu.enqueue_indirect_dma source(%dma_start3A_16 : memref<10000x128xf32, #tpu.memory_space<hbm>>) target(%arg10 : memref<80x128xf32, #tpu.memory_space<vmem>>) offsets(%arg8 : memref<80xi32, #tpu.memory_space<vmem>>) semaphore(%arg12 : memref<!tpu.dma_semaphore, #tpu.memory_space<semaphore_mem>>)
      %dma_start3A_17 = arith.constant 0 : i32
      %dma_start3A_18 = arith.constant 0 : i32
      %dma_start3A_19 = tpu.memref_slice %arg3[%dma_start3A_17, %dma_start3A_18] : memref<10000x128xf32, #tpu.memory_space<hbm>> -> memref<10000x128xf32, #tpu.memory_space<hbm>>
      tpu.enqueue_indirect_dma source(%dma_start3A_19 : memref<10000x128xf32, #tpu.memory_space<hbm>>) target(%arg11 : memref<80x128xf32, #tpu.memory_space<vmem>>) offsets(%arg9 : memref<80xi32, #tpu.memory_space<vmem>>) semaphore(%arg13 : memref<!tpu.dma_semaphore, #tpu.memory_space<semaphore_mem>>)
      %dma_wait3A = arith.constant 0 : i32
      %dma_wait3A_20 = arith.constant 0 : i32
      %dma_wait3A_21 = tpu.memref_slice %arg2[%dma_wait3A, %dma_wait3A_20] : memref<10000x128xf32, #tpu.memory_space<hbm>> -> memref<10000x128xf32, #tpu.memory_space<hbm>>
      tpu.wait_indirect_dma semaphore(%arg12 : memref<!tpu.dma_semaphore, #tpu.memory_space<semaphore_mem>>) src(%dma_wait3A_21 : memref<10000x128xf32, #tpu.memory_space<hbm>>) dst(%arg10 : memref<80x128xf32, #tpu.memory_space<vmem>>)
      %dma_wait3A_22 = arith.constant 0 : i32
      %dma_wait3A_23 = arith.constant 0 : i32
      %dma_wait3A_24 = tpu.memref_slice %arg3[%dma_wait3A_22, %dma_wait3A_23] : memref<10000x128xf32, #tpu.memory_space<hbm>> -> memref<10000x128xf32, #tpu.memory_space<hbm>>
      tpu.wait_indirect_dma semaphore(%arg13 : memref<!tpu.dma_semaphore, #tpu.memory_space<semaphore_mem>>) src(%dma_wait3A_24 : memref<10000x128xf32, #tpu.memory_space<hbm>>) dst(%arg11 : memref<80x128xf32, #tpu.memory_space<vmem>>)
      "tpu.region"() ({
        %run_scoped3A = tpu.sem_alloc : memref<!tpu.dma_semaphore, #tpu.memory_space<semaphore_mem>>
        %dma_start3A_25 = arith.constant 0 : i32
        %dma_start3A_26 = tpu.memref_slice %arg6[%add3A_14, %dma_start3A_25] : memref<158720x128xf32, #tpu.memory_space<hbm>> -> memref<80x128xf32, #tpu.memory_space<hbm>>
        %dma_start3A_27 = arith.constant 0 : i32
        %dma_start3A_28 = tpu.memref_slice %arg6[%add3A_14, %dma_start3A_27] : memref<158720x128xf32, #tpu.memory_space<hbm>> -> memref<80x128xf32, #tpu.memory_space<hbm>>
        tpu.enqueue_dma source(%arg10 : memref<80x128xf32, #tpu.memory_space<vmem>>) target(%dma_start3A_28 : memref<80x128xf32, #tpu.memory_space<hbm>>) target_semaphore(%run_scoped3A : memref<!tpu.dma_semaphore, #tpu.memory_space<semaphore_mem>>)
        %dma_wait3A_29 = arith.constant 0 : i32
        %dma_wait3A_30 = tpu.memref_slice %arg6[%add3A_14, %dma_wait3A_29] : memref<158720x128xf32, #tpu.memory_space<hbm>> -> memref<80x128xf32, #tpu.memory_space<hbm>>
        %dma_wait3A_31 = arith.constant 0 : i32
        %dma_wait3A_32 = tpu.memref_slice %arg6[%add3A_14, %dma_wait3A_31] : memref<158720x128xf32, #tpu.memory_space<hbm>> -> memref<80x128xf32, #tpu.memory_space<hbm>>
        tpu.wait_dma2 semaphore(%run_scoped3A : memref<!tpu.dma_semaphore, #tpu.memory_space<semaphore_mem>>) src(%arg10 : memref<80x128xf32, #tpu.memory_space<vmem>>) dst(%dma_wait3A_32 : memref<80x128xf32, #tpu.memory_space<hbm>>)
        tpu.yield
      }) : () -> ()
      "tpu.region"() ({
        %run_scoped3A = tpu.sem_alloc : memref<!tpu.dma_semaphore, #tpu.memory_space<semaphore_mem>>
        %dma_start3A_25 = arith.constant 0 : i32
        %dma_start3A_26 = tpu.memref_slice %arg7[%add3A_14, %dma_start3A_25] : memref<158720x128xf32, #tpu.memory_space<hbm>> -> memref<80x128xf32, #tpu.memory_space<hbm>>
        %dma_start3A_27 = arith.constant 0 : i32
        %dma_start3A_28 = tpu.memref_slice %arg7[%add3A_14, %dma_start3A_27] : memref<158720x128xf32, #tpu.memory_space<hbm>> -> memref<80x128xf32, #tpu.memory_space<hbm>>
        tpu.enqueue_dma source(%arg11 : memref<80x128xf32, #tpu.memory_space<vmem>>) target(%dma_start3A_28 : memref<80x128xf32, #tpu.memory_space<hbm>>) target_semaphore(%run_scoped3A : memref<!tpu.dma_semaphore, #tpu.memory_space<semaphore_mem>>)
        %dma_wait3A_29 = arith.constant 0 : i32
        %dma_wait3A_30 = tpu.memref_slice %arg7[%add3A_14, %dma_wait3A_29] : memref<158720x128xf32, #tpu.memory_space<hbm>> -> memref<80x128xf32, #tpu.memory_space<hbm>>
        %dma_wait3A_31 = arith.constant 0 : i32
        %dma_wait3A_32 = tpu.memref_slice %arg7[%add3A_14, %dma_wait3A_31] : memref<158720x128xf32, #tpu.memory_space<hbm>> -> memref<80x128xf32, #tpu.memory_space<hbm>>
        tpu.wait_dma2 semaphore(%run_scoped3A : memref<!tpu.dma_semaphore, #tpu.memory_space<semaphore_mem>>) src(%arg11 : memref<80x128xf32, #tpu.memory_space<vmem>>) dst(%dma_wait3A_32 : memref<80x128xf32, #tpu.memory_space<hbm>>)
        tpu.yield
      }) : () -> ()
    }
    %scan3A_6 = arith.constant 62 : i32
    return
  }
}

module attributes {stable_mosaic.version = 14 : i64} {
  func.func @_edge_body(%arg0: i32, %arg1: memref<2016x128xf32, #tpu.memory_space<vmem>>, %arg2: memref<2016x128xf32, #tpu.memory_space<vmem>>, %arg3: memref<256x128xbf16, #tpu.memory_space<vmem>>, %arg4: memref<1x128xf32, #tpu.memory_space<vmem>>, %arg5: memref<128x8xf32, #tpu.memory_space<vmem>>, %arg6: memref<64x128xbf16, #tpu.memory_space<vmem>>, %arg7: memref<1x128xf32, #tpu.memory_space<vmem>>, %arg8: memref<64x1xbf16, #tpu.memory_space<vmem>>, %arg9: memref<1x1xf32, #tpu.memory_space<vmem>>, %arg10: memref<2016x128xf32, #tpu.memory_space<vmem>>) attributes {dimension_semantics = [#tpu.dimension_semantics<arbitrary>], iteration_bounds = array<i64: 80>, scalar_prefetch = 0 : i64, scratch_operands = 0 : i64, tpu.core_type = #tpu.core_type<tc>, window_params = [{transform_indices = @transform_0, window_bounds = array<i64: 2016, 128>}, {transform_indices = @transform_1, window_bounds = array<i64: 2016, 128>}, {pipeline_mode = #tpu.pipeline_mode<synchronous>, transform_indices = @transform_2, window_bounds = array<i64: 256, 128>}, {pipeline_mode = #tpu.pipeline_mode<synchronous>, transform_indices = @transform_3, window_bounds = array<i64: 1, 128>}, {pipeline_mode = #tpu.pipeline_mode<synchronous>, transform_indices = @transform_4, window_bounds = array<i64: 128, 8>}, {pipeline_mode = #tpu.pipeline_mode<synchronous>, transform_indices = @transform_5, window_bounds = array<i64: 64, 128>}, {pipeline_mode = #tpu.pipeline_mode<synchronous>, transform_indices = @transform_6, window_bounds = array<i64: 1, 128>}, {pipeline_mode = #tpu.pipeline_mode<synchronous>, transform_indices = @transform_7, window_bounds = array<i64: 64, 1>}, {pipeline_mode = #tpu.pipeline_mode<synchronous>, transform_indices = @transform_8, window_bounds = array<i64: 1, 1>}, {transform_indices = @transform_9, window_bounds = array<i64: 2016, 128>}]} {
    %get3A = arith.constant 0 : index
    %get3A_0 = arith.constant 0 : index
    %get3A_1 = vector.load %arg1[%get3A, %get3A_0] : memref<2016x128xf32, #tpu.memory_space<vmem>>, vector<2016x128xf32>
    %get3A_2 = arith.constant 0 : index
    %get3A_3 = arith.constant 0 : index
    %get3A_4 = vector.load %arg2[%get3A_2, %get3A_3] : memref<2016x128xf32, #tpu.memory_space<vmem>>, vector<2016x128xf32>
    %slice3A = vector.extract_strided_slice %get3A_1 {offsets = [0, 0], sizes = [2016, 8], strides = [1, 1]} : vector<2016x128xf32> to vector<2016x8xf32>
    %slice3A_5 = vector.extract_strided_slice %get3A_4 {offsets = [0, 0], sizes = [2016, 8], strides = [1, 1]} : vector<2016x128xf32> to vector<2016x8xf32>
    %concatenate3A = tpu.concatenate %slice3A, %slice3A_5 in 1 : vector<2016x8xf32>, vector<2016x8xf32> -> vector<2016x16xf32>
    %transpose3A = tpu.transpose %concatenate3A, [1, 0] : vector<2016x16xf32> -> vector<16x2016xf32>
    %slice3A_6 = vector.extract_strided_slice %transpose3A {offsets = [0, 0], sizes = [8, 2016], strides = [1, 1]} : vector<16x2016xf32> to vector<8x2016xf32>
    %slice3A_7 = vector.extract_strided_slice %transpose3A {offsets = [8, 0], sizes = [8, 2016], strides = [1, 1]} : vector<16x2016xf32> to vector<8x2016xf32>
    %slice3A_8 = vector.extract_strided_slice %slice3A_6 {offsets = [0, 0], sizes = [3, 2016], strides = [1, 1]} : vector<8x2016xf32> to vector<3x2016xf32>
    %slice3A_9 = vector.extract_strided_slice %slice3A_7 {offsets = [0, 0], sizes = [3, 2016], strides = [1, 1]} : vector<8x2016xf32> to vector<3x2016xf32>
    %sub3A = arith.subf %slice3A_8, %slice3A_9 : vector<3x2016xf32>
    %mul3A = arith.mulf %sub3A, %sub3A : vector<3x2016xf32>
    %reduce_sum3A = arith.constant dense<0.000000e+00> : vector<2016xf32>
    %reduce_sum3A_10 = vector.multi_reduction <add>, %mul3A, %reduce_sum3A [0] : vector<3x2016xf32> to vector<2016xf32>
    %broadcast_in_dim3A = vector.shape_cast %reduce_sum3A_10 : vector<2016xf32> to vector<1x2016xf32>
    %slice3A_11 = vector.extract_strided_slice %slice3A_6 {offsets = [3, 0], sizes = [3, 2016], strides = [1, 1]} : vector<8x2016xf32> to vector<3x2016xf32>
    %slice3A_12 = vector.extract_strided_slice %slice3A_7 {offsets = [3, 0], sizes = [3, 2016], strides = [1, 1]} : vector<8x2016xf32> to vector<3x2016xf32>
    %slice3A_13 = vector.extract_strided_slice %slice3A_11 {offsets = [1, 0], sizes = [1, 2016], strides = [1, 1]} : vector<3x2016xf32> to vector<1x2016xf32>
    %slice3A_14 = vector.extract_strided_slice %slice3A_12 {offsets = [2, 0], sizes = [1, 2016], strides = [1, 1]} : vector<3x2016xf32> to vector<1x2016xf32>
    %mul3A_15 = arith.mulf %slice3A_13, %slice3A_14 : vector<1x2016xf32>
    %slice3A_16 = vector.extract_strided_slice %slice3A_11 {offsets = [2, 0], sizes = [1, 2016], strides = [1, 1]} : vector<3x2016xf32> to vector<1x2016xf32>
    %slice3A_17 = vector.extract_strided_slice %slice3A_12 {offsets = [1, 0], sizes = [1, 2016], strides = [1, 1]} : vector<3x2016xf32> to vector<1x2016xf32>
    %mul3A_18 = arith.mulf %slice3A_16, %slice3A_17 : vector<1x2016xf32>
    %sub3A_19 = arith.subf %mul3A_15, %mul3A_18 : vector<1x2016xf32>
    %slice3A_20 = vector.extract_strided_slice %slice3A_11 {offsets = [2, 0], sizes = [1, 2016], strides = [1, 1]} : vector<3x2016xf32> to vector<1x2016xf32>
    %slice3A_21 = vector.extract_strided_slice %slice3A_12 {offsets = [0, 0], sizes = [1, 2016], strides = [1, 1]} : vector<3x2016xf32> to vector<1x2016xf32>
    %mul3A_22 = arith.mulf %slice3A_20, %slice3A_21 : vector<1x2016xf32>
    %slice3A_23 = vector.extract_strided_slice %slice3A_11 {offsets = [0, 0], sizes = [1, 2016], strides = [1, 1]} : vector<3x2016xf32> to vector<1x2016xf32>
    %slice3A_24 = vector.extract_strided_slice %slice3A_12 {offsets = [2, 0], sizes = [1, 2016], strides = [1, 1]} : vector<3x2016xf32> to vector<1x2016xf32>
    %mul3A_25 = arith.mulf %slice3A_23, %slice3A_24 : vector<1x2016xf32>
    %sub3A_26 = arith.subf %mul3A_22, %mul3A_25 : vector<1x2016xf32>
    %slice3A_27 = vector.extract_strided_slice %slice3A_11 {offsets = [0, 0], sizes = [1, 2016], strides = [1, 1]} : vector<3x2016xf32> to vector<1x2016xf32>
    %slice3A_28 = vector.extract_strided_slice %slice3A_12 {offsets = [1, 0], sizes = [1, 2016], strides = [1, 1]} : vector<3x2016xf32> to vector<1x2016xf32>
    %mul3A_29 = arith.mulf %slice3A_27, %slice3A_28 : vector<1x2016xf32>
    %slice3A_30 = vector.extract_strided_slice %slice3A_11 {offsets = [1, 0], sizes = [1, 2016], strides = [1, 1]} : vector<3x2016xf32> to vector<1x2016xf32>
    %slice3A_31 = vector.extract_strided_slice %slice3A_12 {offsets = [0, 0], sizes = [1, 2016], strides = [1, 1]} : vector<3x2016xf32> to vector<1x2016xf32>
    %mul3A_32 = arith.mulf %slice3A_30, %slice3A_31 : vector<1x2016xf32>
    %sub3A_33 = arith.subf %mul3A_29, %mul3A_32 : vector<1x2016xf32>
    %concatenate3A_34 = tpu.concatenate %sub3A_19, %sub3A_26, %sub3A_33 in 0 : vector<1x2016xf32>, vector<1x2016xf32>, vector<1x2016xf32> -> vector<3x2016xf32>
    %mul3A_35 = arith.mulf %concatenate3A_34, %concatenate3A_34 : vector<3x2016xf32>
    %reduce_sum3A_36 = arith.constant dense<0.000000e+00> : vector<2016xf32>
    %reduce_sum3A_37 = vector.multi_reduction <add>, %mul3A_35, %reduce_sum3A_36 [0] : vector<3x2016xf32> to vector<2016xf32>
    %broadcast_in_dim3A_38 = vector.shape_cast %reduce_sum3A_37 : vector<2016xf32> to vector<1x2016xf32>
    %sqrt3A = math.sqrt %broadcast_in_dim3A_38 : vector<1x2016xf32>
    %concatenate3A_39 = tpu.concatenate %sub3A, %broadcast_in_dim3A, %concatenate3A_34, %sqrt3A in 0 : vector<3x2016xf32>, vector<1x2016xf32>, vector<3x2016xf32>, vector<1x2016xf32> -> vector<8x2016xf32>
    %get3A_40 = arith.constant 0 : index
    %get3A_41 = arith.constant 0 : index
    %get3A_42 = vector.load %arg5[%get3A_40, %get3A_41] : memref<128x8xf32, #tpu.memory_space<vmem>>, vector<128x8xf32>
    %dot_general3A = arith.constant dense<0.000000e+00> : vector<128x2016xf32>
    %dot_general3A_43 = tpu.matmul %get3A_42, %concatenate3A_39, %dot_general3A {dimension_numbers = #tpu.dot_dimension_numbers<[1], [0], [0], [1], [0, 0, 1, 1], [], []>, transpose_lhs_hint = false} : vector<128x8xf32>, vector<8x2016xf32>, vector<128x2016xf32> -> vector<128x2016xf32>
    %transpose3A_44 = tpu.transpose %dot_general3A_43, [1, 0] : vector<128x2016xf32> -> vector<2016x128xf32>
    %concatenate3A_45 = tpu.concatenate %get3A_1, %get3A_4 in 1 : vector<2016x128xf32>, vector<2016x128xf32> -> vector<2016x256xf32>
    %convert_element_type3A = arith.truncf %concatenate3A_45 : vector<2016x256xf32> to vector<2016x256xbf16>
    %get3A_46 = arith.constant 0 : index
    %get3A_47 = arith.constant 0 : index
    %get3A_48 = vector.load %arg3[%get3A_46, %get3A_47] : memref<256x128xbf16, #tpu.memory_space<vmem>>, vector<256x128xbf16>
    %dot_general3A_49 = arith.constant dense<0.000000e+00> : vector<2016x128xf32>
    %dot_general3A_50 = tpu.matmul %convert_element_type3A, %get3A_48, %dot_general3A_49 {dimension_numbers = #tpu.dot_dimension_numbers<[1], [0], [0], [1], [0, 0, 1, 1], [], []>, transpose_lhs_hint = false} : vector<2016x256xbf16>, vector<256x128xbf16>, vector<2016x128xf32> -> vector<2016x128xf32>
    %add3A = arith.addf %dot_general3A_50, %transpose3A_44 : vector<2016x128xf32>
    %get3A_51 = arith.constant 0 : index
    %get3A_52 = arith.constant 0 : index
    %get3A_53 = vector.load %arg4[%get3A_51, %get3A_52] : memref<1x128xf32, #tpu.memory_space<vmem>>, vector<1x128xf32>
    %add3A_54 = vector.broadcast %get3A_53 : vector<1x128xf32> to vector<2016x128xf32>
    %add3A_55 = arith.addf %add3A, %add3A_54 : vector<2016x128xf32>
    %max3A = arith.constant 0.000000e+00 : f32
    %max3A_56 = vector.broadcast %max3A : f32 to vector<2016x128xf32>
    %max3A_57 = arith.maximumf %add3A_55, %max3A_56 : vector<2016x128xf32>
    %slice3A_58 = vector.extract_strided_slice %max3A_57 {offsets = [0, 0], sizes = [2016, 64], strides = [1, 1]} : vector<2016x128xf32> to vector<2016x64xf32>
    %slice3A_59 = vector.extract_strided_slice %max3A_57 {offsets = [0, 64], sizes = [2016, 64], strides = [1, 1]} : vector<2016x128xf32> to vector<2016x64xf32>
    %convert_element_type3A_60 = arith.truncf %slice3A_59 : vector<2016x64xf32> to vector<2016x64xbf16>
    %get3A_61 = arith.constant 0 : index
    %get3A_62 = arith.constant 0 : index
    %get3A_63 = vector.load %arg8[%get3A_61, %get3A_62] : memref<64x1xbf16, #tpu.memory_space<vmem>>, vector<64x1xbf16>
    %dot_general3A_64 = arith.constant dense<0.000000e+00> : vector<2016x1xf32>
    %dot_general3A_65 = tpu.matmul %convert_element_type3A_60, %get3A_63, %dot_general3A_64 {dimension_numbers = #tpu.dot_dimension_numbers<[1], [0], [0], [1], [0, 0, 1, 1], [], []>, transpose_lhs_hint = false} : vector<2016x64xbf16>, vector<64x1xbf16>, vector<2016x1xf32> -> vector<2016x1xf32>
    %get3A_66 = arith.constant 0 : index
    %get3A_67 = arith.constant 0 : index
    %get3A_68 = vector.load %arg9[%get3A_66, %get3A_67] : memref<1x1xf32, #tpu.memory_space<vmem>>, vector<1x1xf32>
    %add3A_69 = vector.broadcast %get3A_68 : vector<1x1xf32> to vector<2016x1xf32>
    %add3A_70 = arith.addf %dot_general3A_65, %add3A_69 : vector<2016x1xf32>
    %neg3A = arith.constant 0.000000e+00 : f32
    %neg3A_71 = vector.broadcast %neg3A : f32 to vector<2016x1xf32>
    %neg3A_72 = arith.subf %neg3A_71, %add3A_70 : vector<2016x1xf32>
    %exp3A = math.exp %neg3A_72 : vector<2016x1xf32>
    %add3A_73 = arith.constant 1.000000e+00 : f32
    %add3A_74 = vector.broadcast %add3A_73 : f32 to vector<2016x1xf32>
    %add3A_75 = arith.addf %add3A_74, %exp3A : vector<2016x1xf32>
    %div3A = arith.constant 1.000000e+00 : f32
    %div3A_76 = vector.broadcast %div3A : f32 to vector<2016x1xf32>
    %div3A_77 = arith.divf %div3A_76, %add3A_75 : vector<2016x1xf32>
    %convert_element_type3A_78 = arith.truncf %slice3A_58 : vector<2016x64xf32> to vector<2016x64xbf16>
    %get3A_79 = arith.constant 0 : index
    %get3A_80 = arith.constant 0 : index
    %get3A_81 = vector.load %arg6[%get3A_79, %get3A_80] : memref<64x128xbf16, #tpu.memory_space<vmem>>, vector<64x128xbf16>
    %dot_general3A_82 = arith.constant dense<0.000000e+00> : vector<2016x128xf32>
    %dot_general3A_83 = tpu.matmul %convert_element_type3A_78, %get3A_81, %dot_general3A_82 {dimension_numbers = #tpu.dot_dimension_numbers<[1], [0], [0], [1], [0, 0, 1, 1], [], []>, transpose_lhs_hint = false} : vector<2016x64xbf16>, vector<64x128xbf16>, vector<2016x128xf32> -> vector<2016x128xf32>
    %get3A_84 = arith.constant 0 : index
    %get3A_85 = arith.constant 0 : index
    %get3A_86 = vector.load %arg7[%get3A_84, %get3A_85] : memref<1x128xf32, #tpu.memory_space<vmem>>, vector<1x128xf32>
    %add3A_87 = vector.broadcast %get3A_86 : vector<1x128xf32> to vector<2016x128xf32>
    %add3A_88 = arith.addf %dot_general3A_83, %add3A_87 : vector<2016x128xf32>
    %mul3A_89 = vector.broadcast %div3A_77 : vector<2016x1xf32> to vector<2016x128xf32>
    %mul3A_90 = arith.mulf %mul3A_89, %add3A_88 : vector<2016x128xf32>
    %swap3A = arith.constant 0 : index
    %swap3A_91 = arith.constant 0 : index
    %swap3A_92 = vector.load %arg10[%swap3A, %swap3A_91] : memref<2016x128xf32, #tpu.memory_space<vmem>>, vector<2016x128xf32>
    tpu.vector_store %arg10[%swap3A, %swap3A_91], %mul3A_90 {strides = array<i32>} : memref<2016x128xf32, #tpu.memory_space<vmem>>, vector<2016x128xf32>,
    return
  }
  func.func @transform_0(%arg0: i32) -> (i32, i32) {
    %c0_i32 = arith.constant 0 : i32
    %c0_i32_0 = arith.constant 0 : i32
    return %arg0, %c0_i32 : i32, i32
  }
  func.func @transform_1(%arg0: i32) -> (i32, i32) {
    %c0_i32 = arith.constant 0 : i32
    %c0_i32_0 = arith.constant 0 : i32
    return %arg0, %c0_i32 : i32, i32
  }
  func.func @transform_2(%arg0: i32) -> (i32, i32) {
    %c0_i32 = arith.constant 0 : i32
    %c0_i32_0 = arith.constant 0 : i32
    %c0_i32_1 = arith.constant 0 : i32
    return %c0_i32, %c0_i32_0 : i32, i32
  }
  func.func @transform_3(%arg0: i32) -> (i32, i32) {
    %c0_i32 = arith.constant 0 : i32
    %c0_i32_0 = arith.constant 0 : i32
    %c0_i32_1 = arith.constant 0 : i32
    return %c0_i32, %c0_i32_0 : i32, i32
  }
  func.func @transform_4(%arg0: i32) -> (i32, i32) {
    %c0_i32 = arith.constant 0 : i32
    %c0_i32_0 = arith.constant 0 : i32
    %c0_i32_1 = arith.constant 0 : i32
    return %c0_i32, %c0_i32_0 : i32, i32
  }
  func.func @transform_5(%arg0: i32) -> (i32, i32) {
    %c0_i32 = arith.constant 0 : i32
    %c0_i32_0 = arith.constant 0 : i32
    %c0_i32_1 = arith.constant 0 : i32
    return %c0_i32, %c0_i32_0 : i32, i32
  }
  func.func @transform_6(%arg0: i32) -> (i32, i32) {
    %c0_i32 = arith.constant 0 : i32
    %c0_i32_0 = arith.constant 0 : i32
    %c0_i32_1 = arith.constant 0 : i32
    return %c0_i32, %c0_i32_0 : i32, i32
  }
  func.func @transform_7(%arg0: i32) -> (i32, i32) {
    %c0_i32 = arith.constant 0 : i32
    %c0_i32_0 = arith.constant 0 : i32
    %c0_i32_1 = arith.constant 0 : i32
    return %c0_i32, %c0_i32_0 : i32, i32
  }
  func.func @transform_8(%arg0: i32) -> (i32, i32) {
    %c0_i32 = arith.constant 0 : i32
    %c0_i32_0 = arith.constant 0 : i32
    %c0_i32_1 = arith.constant 0 : i32
    return %c0_i32, %c0_i32_0 : i32, i32
  }
  func.func @transform_9(%arg0: i32) -> (i32, i32) {
    %c0_i32 = arith.constant 0 : i32
    %c0_i32_0 = arith.constant 0 : i32
    return %arg0, %c0_i32 : i32, i32
  }
}

module attributes {stable_mosaic.version = 14 : i64} {
  func.func @_edge_body(%arg0: i32, %arg1: memref<1984x128xf32, #tpu.memory_space<vmem>>, %arg2: memref<1984x128xf32, #tpu.memory_space<vmem>>, %arg3: memref<256x128xbf16, #tpu.memory_space<vmem>>, %arg4: memref<1x128xf32, #tpu.memory_space<vmem>>, %arg5: memref<128x8xf32, #tpu.memory_space<vmem>>, %arg6: memref<64x128xbf16, #tpu.memory_space<vmem>>, %arg7: memref<1x128xf32, #tpu.memory_space<vmem>>, %arg8: memref<64x1xbf16, #tpu.memory_space<vmem>>, %arg9: memref<1x1xf32, #tpu.memory_space<vmem>>, %arg10: memref<1984x128xf32, #tpu.memory_space<vmem>>) attributes {dimension_semantics = [#tpu.dimension_semantics<arbitrary>], iteration_bounds = array<i64: 80>, scalar_prefetch = 0 : i64, scratch_operands = 0 : i64, tpu.core_type = #tpu.core_type<tc>, window_params = [{transform_indices = @transform_0, window_bounds = array<i64: 1984, 128>}, {transform_indices = @transform_1, window_bounds = array<i64: 1984, 128>}, {pipeline_mode = #tpu.pipeline_mode<synchronous>, transform_indices = @transform_2, window_bounds = array<i64: 256, 128>}, {pipeline_mode = #tpu.pipeline_mode<synchronous>, transform_indices = @transform_3, window_bounds = array<i64: 1, 128>}, {pipeline_mode = #tpu.pipeline_mode<synchronous>, transform_indices = @transform_4, window_bounds = array<i64: 128, 8>}, {pipeline_mode = #tpu.pipeline_mode<synchronous>, transform_indices = @transform_5, window_bounds = array<i64: 64, 128>}, {pipeline_mode = #tpu.pipeline_mode<synchronous>, transform_indices = @transform_6, window_bounds = array<i64: 1, 128>}, {pipeline_mode = #tpu.pipeline_mode<synchronous>, transform_indices = @transform_7, window_bounds = array<i64: 64, 1>}, {pipeline_mode = #tpu.pipeline_mode<synchronous>, transform_indices = @transform_8, window_bounds = array<i64: 1, 1>}, {transform_indices = @transform_9, window_bounds = array<i64: 1984, 128>}]} {
    %get3A = arith.constant 0 : index
    %get3A_0 = arith.constant 0 : index
    %get3A_1 = vector.load %arg1[%get3A, %get3A_0] : memref<1984x128xf32, #tpu.memory_space<vmem>>, vector<1984x128xf32>
    %get3A_2 = arith.constant 0 : index
    %get3A_3 = arith.constant 0 : index
    %get3A_4 = vector.load %arg2[%get3A_2, %get3A_3] : memref<1984x128xf32, #tpu.memory_space<vmem>>, vector<1984x128xf32>
    %slice3A = vector.extract_strided_slice %get3A_1 {offsets = [0, 0], sizes = [1984, 8], strides = [1, 1]} : vector<1984x128xf32> to vector<1984x8xf32>
    %slice3A_5 = vector.extract_strided_slice %get3A_4 {offsets = [0, 0], sizes = [1984, 8], strides = [1, 1]} : vector<1984x128xf32> to vector<1984x8xf32>
    %concatenate3A = tpu.concatenate %slice3A, %slice3A_5 in 1 : vector<1984x8xf32>, vector<1984x8xf32> -> vector<1984x16xf32>
    %transpose3A = tpu.transpose %concatenate3A, [1, 0] : vector<1984x16xf32> -> vector<16x1984xf32>
    %slice3A_6 = vector.extract_strided_slice %transpose3A {offsets = [0, 0], sizes = [8, 1984], strides = [1, 1]} : vector<16x1984xf32> to vector<8x1984xf32>
    %slice3A_7 = vector.extract_strided_slice %transpose3A {offsets = [8, 0], sizes = [8, 1984], strides = [1, 1]} : vector<16x1984xf32> to vector<8x1984xf32>
    %slice3A_8 = vector.extract_strided_slice %slice3A_6 {offsets = [0, 0], sizes = [3, 1984], strides = [1, 1]} : vector<8x1984xf32> to vector<3x1984xf32>
    %slice3A_9 = vector.extract_strided_slice %slice3A_7 {offsets = [0, 0], sizes = [3, 1984], strides = [1, 1]} : vector<8x1984xf32> to vector<3x1984xf32>
    %sub3A = arith.subf %slice3A_8, %slice3A_9 : vector<3x1984xf32>
    %mul3A = arith.mulf %sub3A, %sub3A : vector<3x1984xf32>
    %reduce_sum3A = arith.constant dense<0.000000e+00> : vector<1984xf32>
    %reduce_sum3A_10 = vector.multi_reduction <add>, %mul3A, %reduce_sum3A [0] : vector<3x1984xf32> to vector<1984xf32>
    %broadcast_in_dim3A = vector.shape_cast %reduce_sum3A_10 : vector<1984xf32> to vector<1x1984xf32>
    %slice3A_11 = vector.extract_strided_slice %slice3A_6 {offsets = [3, 0], sizes = [3, 1984], strides = [1, 1]} : vector<8x1984xf32> to vector<3x1984xf32>
    %slice3A_12 = vector.extract_strided_slice %slice3A_7 {offsets = [3, 0], sizes = [3, 1984], strides = [1, 1]} : vector<8x1984xf32> to vector<3x1984xf32>
    %slice3A_13 = vector.extract_strided_slice %slice3A_11 {offsets = [1, 0], sizes = [1, 1984], strides = [1, 1]} : vector<3x1984xf32> to vector<1x1984xf32>
    %slice3A_14 = vector.extract_strided_slice %slice3A_12 {offsets = [2, 0], sizes = [1, 1984], strides = [1, 1]} : vector<3x1984xf32> to vector<1x1984xf32>
    %mul3A_15 = arith.mulf %slice3A_13, %slice3A_14 : vector<1x1984xf32>
    %slice3A_16 = vector.extract_strided_slice %slice3A_11 {offsets = [2, 0], sizes = [1, 1984], strides = [1, 1]} : vector<3x1984xf32> to vector<1x1984xf32>
    %slice3A_17 = vector.extract_strided_slice %slice3A_12 {offsets = [1, 0], sizes = [1, 1984], strides = [1, 1]} : vector<3x1984xf32> to vector<1x1984xf32>
    %mul3A_18 = arith.mulf %slice3A_16, %slice3A_17 : vector<1x1984xf32>
    %sub3A_19 = arith.subf %mul3A_15, %mul3A_18 : vector<1x1984xf32>
    %slice3A_20 = vector.extract_strided_slice %slice3A_11 {offsets = [2, 0], sizes = [1, 1984], strides = [1, 1]} : vector<3x1984xf32> to vector<1x1984xf32>
    %slice3A_21 = vector.extract_strided_slice %slice3A_12 {offsets = [0, 0], sizes = [1, 1984], strides = [1, 1]} : vector<3x1984xf32> to vector<1x1984xf32>
    %mul3A_22 = arith.mulf %slice3A_20, %slice3A_21 : vector<1x1984xf32>
    %slice3A_23 = vector.extract_strided_slice %slice3A_11 {offsets = [0, 0], sizes = [1, 1984], strides = [1, 1]} : vector<3x1984xf32> to vector<1x1984xf32>
    %slice3A_24 = vector.extract_strided_slice %slice3A_12 {offsets = [2, 0], sizes = [1, 1984], strides = [1, 1]} : vector<3x1984xf32> to vector<1x1984xf32>
    %mul3A_25 = arith.mulf %slice3A_23, %slice3A_24 : vector<1x1984xf32>
    %sub3A_26 = arith.subf %mul3A_22, %mul3A_25 : vector<1x1984xf32>
    %slice3A_27 = vector.extract_strided_slice %slice3A_11 {offsets = [0, 0], sizes = [1, 1984], strides = [1, 1]} : vector<3x1984xf32> to vector<1x1984xf32>
    %slice3A_28 = vector.extract_strided_slice %slice3A_12 {offsets = [1, 0], sizes = [1, 1984], strides = [1, 1]} : vector<3x1984xf32> to vector<1x1984xf32>
    %mul3A_29 = arith.mulf %slice3A_27, %slice3A_28 : vector<1x1984xf32>
    %slice3A_30 = vector.extract_strided_slice %slice3A_11 {offsets = [1, 0], sizes = [1, 1984], strides = [1, 1]} : vector<3x1984xf32> to vector<1x1984xf32>
    %slice3A_31 = vector.extract_strided_slice %slice3A_12 {offsets = [0, 0], sizes = [1, 1984], strides = [1, 1]} : vector<3x1984xf32> to vector<1x1984xf32>
    %mul3A_32 = arith.mulf %slice3A_30, %slice3A_31 : vector<1x1984xf32>
    %sub3A_33 = arith.subf %mul3A_29, %mul3A_32 : vector<1x1984xf32>
    %concatenate3A_34 = tpu.concatenate %sub3A_19, %sub3A_26, %sub3A_33 in 0 : vector<1x1984xf32>, vector<1x1984xf32>, vector<1x1984xf32> -> vector<3x1984xf32>
    %mul3A_35 = arith.mulf %concatenate3A_34, %concatenate3A_34 : vector<3x1984xf32>
    %reduce_sum3A_36 = arith.constant dense<0.000000e+00> : vector<1984xf32>
    %reduce_sum3A_37 = vector.multi_reduction <add>, %mul3A_35, %reduce_sum3A_36 [0] : vector<3x1984xf32> to vector<1984xf32>
    %broadcast_in_dim3A_38 = vector.shape_cast %reduce_sum3A_37 : vector<1984xf32> to vector<1x1984xf32>
    %sqrt3A = math.sqrt %broadcast_in_dim3A_38 : vector<1x1984xf32>
    %concatenate3A_39 = tpu.concatenate %sub3A, %broadcast_in_dim3A, %concatenate3A_34, %sqrt3A in 0 : vector<3x1984xf32>, vector<1x1984xf32>, vector<3x1984xf32>, vector<1x1984xf32> -> vector<8x1984xf32>
    %get3A_40 = arith.constant 0 : index
    %get3A_41 = arith.constant 0 : index
    %get3A_42 = vector.load %arg5[%get3A_40, %get3A_41] : memref<128x8xf32, #tpu.memory_space<vmem>>, vector<128x8xf32>
    %dot_general3A = arith.constant dense<0.000000e+00> : vector<128x1984xf32>
    %dot_general3A_43 = tpu.matmul %get3A_42, %concatenate3A_39, %dot_general3A {dimension_numbers = #tpu.dot_dimension_numbers<[1], [0], [0], [1], [0, 0, 1, 1], [], []>, transpose_lhs_hint = false} : vector<128x8xf32>, vector<8x1984xf32>, vector<128x1984xf32> -> vector<128x1984xf32>
    %transpose3A_44 = tpu.transpose %dot_general3A_43, [1, 0] : vector<128x1984xf32> -> vector<1984x128xf32>
    %concatenate3A_45 = tpu.concatenate %get3A_1, %get3A_4 in 1 : vector<1984x128xf32>, vector<1984x128xf32> -> vector<1984x256xf32>
    %convert_element_type3A = arith.truncf %concatenate3A_45 : vector<1984x256xf32> to vector<1984x256xbf16>
    %get3A_46 = arith.constant 0 : index
    %get3A_47 = arith.constant 0 : index
    %get3A_48 = vector.load %arg3[%get3A_46, %get3A_47] : memref<256x128xbf16, #tpu.memory_space<vmem>>, vector<256x128xbf16>
    %dot_general3A_49 = arith.constant dense<0.000000e+00> : vector<1984x128xf32>
    %dot_general3A_50 = tpu.matmul %convert_element_type3A, %get3A_48, %dot_general3A_49 {dimension_numbers = #tpu.dot_dimension_numbers<[1], [0], [0], [1], [0, 0, 1, 1], [], []>, transpose_lhs_hint = false} : vector<1984x256xbf16>, vector<256x128xbf16>, vector<1984x128xf32> -> vector<1984x128xf32>
    %add3A = arith.addf %dot_general3A_50, %transpose3A_44 : vector<1984x128xf32>
    %get3A_51 = arith.constant 0 : index
    %get3A_52 = arith.constant 0 : index
    %get3A_53 = vector.load %arg4[%get3A_51, %get3A_52] : memref<1x128xf32, #tpu.memory_space<vmem>>, vector<1x128xf32>
    %add3A_54 = vector.broadcast %get3A_53 : vector<1x128xf32> to vector<1984x128xf32>
    %add3A_55 = arith.addf %add3A, %add3A_54 : vector<1984x128xf32>
    %max3A = arith.constant 0.000000e+00 : f32
    %max3A_56 = vector.broadcast %max3A : f32 to vector<1984x128xf32>
    %max3A_57 = arith.maximumf %add3A_55, %max3A_56 : vector<1984x128xf32>
    %slice3A_58 = vector.extract_strided_slice %max3A_57 {offsets = [0, 0], sizes = [1984, 64], strides = [1, 1]} : vector<1984x128xf32> to vector<1984x64xf32>
    %slice3A_59 = vector.extract_strided_slice %max3A_57 {offsets = [0, 64], sizes = [1984, 64], strides = [1, 1]} : vector<1984x128xf32> to vector<1984x64xf32>
    %convert_element_type3A_60 = arith.truncf %slice3A_59 : vector<1984x64xf32> to vector<1984x64xbf16>
    %get3A_61 = arith.constant 0 : index
    %get3A_62 = arith.constant 0 : index
    %get3A_63 = vector.load %arg8[%get3A_61, %get3A_62] : memref<64x1xbf16, #tpu.memory_space<vmem>>, vector<64x1xbf16>
    %dot_general3A_64 = arith.constant dense<0.000000e+00> : vector<1984x1xf32>
    %dot_general3A_65 = tpu.matmul %convert_element_type3A_60, %get3A_63, %dot_general3A_64 {dimension_numbers = #tpu.dot_dimension_numbers<[1], [0], [0], [1], [0, 0, 1, 1], [], []>, transpose_lhs_hint = false} : vector<1984x64xbf16>, vector<64x1xbf16>, vector<1984x1xf32> -> vector<1984x1xf32>
    %get3A_66 = arith.constant 0 : index
    %get3A_67 = arith.constant 0 : index
    %get3A_68 = vector.load %arg9[%get3A_66, %get3A_67] : memref<1x1xf32, #tpu.memory_space<vmem>>, vector<1x1xf32>
    %add3A_69 = vector.broadcast %get3A_68 : vector<1x1xf32> to vector<1984x1xf32>
    %add3A_70 = arith.addf %dot_general3A_65, %add3A_69 : vector<1984x1xf32>
    %neg3A = arith.constant 0.000000e+00 : f32
    %neg3A_71 = vector.broadcast %neg3A : f32 to vector<1984x1xf32>
    %neg3A_72 = arith.subf %neg3A_71, %add3A_70 : vector<1984x1xf32>
    %exp3A = math.exp %neg3A_72 : vector<1984x1xf32>
    %add3A_73 = arith.constant 1.000000e+00 : f32
    %add3A_74 = vector.broadcast %add3A_73 : f32 to vector<1984x1xf32>
    %add3A_75 = arith.addf %add3A_74, %exp3A : vector<1984x1xf32>
    %div3A = arith.constant 1.000000e+00 : f32
    %div3A_76 = vector.broadcast %div3A : f32 to vector<1984x1xf32>
    %div3A_77 = arith.divf %div3A_76, %add3A_75 : vector<1984x1xf32>
    %convert_element_type3A_78 = arith.truncf %slice3A_58 : vector<1984x64xf32> to vector<1984x64xbf16>
    %get3A_79 = arith.constant 0 : index
    %get3A_80 = arith.constant 0 : index
    %get3A_81 = vector.load %arg6[%get3A_79, %get3A_80] : memref<64x128xbf16, #tpu.memory_space<vmem>>, vector<64x128xbf16>
    %dot_general3A_82 = arith.constant dense<0.000000e+00> : vector<1984x128xf32>
    %dot_general3A_83 = tpu.matmul %convert_element_type3A_78, %get3A_81, %dot_general3A_82 {dimension_numbers = #tpu.dot_dimension_numbers<[1], [0], [0], [1], [0, 0, 1, 1], [], []>, transpose_lhs_hint = false} : vector<1984x64xbf16>, vector<64x128xbf16>, vector<1984x128xf32> -> vector<1984x128xf32>
    %get3A_84 = arith.constant 0 : index
    %get3A_85 = arith.constant 0 : index
    %get3A_86 = vector.load %arg7[%get3A_84, %get3A_85] : memref<1x128xf32, #tpu.memory_space<vmem>>, vector<1x128xf32>
    %add3A_87 = vector.broadcast %get3A_86 : vector<1x128xf32> to vector<1984x128xf32>
    %add3A_88 = arith.addf %dot_general3A_83, %add3A_87 : vector<1984x128xf32>
    %mul3A_89 = vector.broadcast %div3A_77 : vector<1984x1xf32> to vector<1984x128xf32>
    %mul3A_90 = arith.mulf %mul3A_89, %add3A_88 : vector<1984x128xf32>
    %swap3A = arith.constant 0 : index
    %swap3A_91 = arith.constant 0 : index
    %swap3A_92 = vector.load %arg10[%swap3A, %swap3A_91] : memref<1984x128xf32, #tpu.memory_space<vmem>>, vector<1984x128xf32>
    tpu.vector_store %arg10[%swap3A, %swap3A_91], %mul3A_90 {strides = array<i32>} : memref<1984x128xf32, #tpu.memory_space<vmem>>, vector<1984x128xf32>,
    return
  }
  func.func @transform_0(%arg0: i32) -> (i32, i32) {
    %c0_i32 = arith.constant 0 : i32
    %c0_i32_0 = arith.constant 0 : i32
    return %arg0, %c0_i32 : i32, i32
  }
  func.func @transform_1(%arg0: i32) -> (i32, i32) {
    %c0_i32 = arith.constant 0 : i32
    %c0_i32_0 = arith.constant 0 : i32
    return %arg0, %c0_i32 : i32, i32
  }
  func.func @transform_2(%arg0: i32) -> (i32, i32) {
    %c0_i32 = arith.constant 0 : i32
    %c0_i32_0 = arith.constant 0 : i32
    %c0_i32_1 = arith.constant 0 : i32
    return %c0_i32, %c0_i32_0 : i32, i32
  }
  func.func @transform_3(%arg0: i32) -> (i32, i32) {
    %c0_i32 = arith.constant 0 : i32
    %c0_i32_0 = arith.constant 0 : i32
    %c0_i32_1 = arith.constant 0 : i32
    return %c0_i32, %c0_i32_0 : i32, i32
  }
  func.func @transform_4(%arg0: i32) -> (i32, i32) {
    %c0_i32 = arith.constant 0 : i32
    %c0_i32_0 = arith.constant 0 : i32
    %c0_i32_1 = arith.constant 0 : i32
    return %c0_i32, %c0_i32_0 : i32, i32
  }
  func.func @transform_5(%arg0: i32) -> (i32, i32) {
    %c0_i32 = arith.constant 0 : i32
    %c0_i32_0 = arith.constant 0 : i32
    %c0_i32_1 = arith.constant 0 : i32
    return %c0_i32, %c0_i32_0 : i32, i32
  }
  func.func @transform_6(%arg0: i32) -> (i32, i32) {
    %c0_i32 = arith.constant 0 : i32
    %c0_i32_0 = arith.constant 0 : i32
    %c0_i32_1 = arith.constant 0 : i32
    return %c0_i32, %c0_i32_0 : i32, i32
  }
  func.func @transform_7(%arg0: i32) -> (i32, i32) {
    %c0_i32 = arith.constant 0 : i32
    %c0_i32_0 = arith.constant 0 : i32
    %c0_i32_1 = arith.constant 0 : i32
    return %c0_i32, %c0_i32_0 : i32, i32
  }
  func.func @transform_8(%arg0: i32) -> (i32, i32) {
    %c0_i32 = arith.constant 0 : i32
    %c0_i32_0 = arith.constant 0 : i32
    %c0_i32_1 = arith.constant 0 : i32
    return %c0_i32, %c0_i32_0 : i32, i32
  }
  func.func @transform_9(%arg0: i32) -> (i32, i32) {
    %c0_i32 = arith.constant 0 : i32
    %c0_i32_0 = arith.constant 0 : i32
    return %arg0, %c0_i32 : i32, i32
  }
}

module attributes {stable_mosaic.version = 14 : i64} {
  func.func @_node_body(%arg0: i32, %arg1: memref<1000x128xf32, #tpu.memory_space<vmem>>, %arg2: memref<4x1000x128xf32, #tpu.memory_space<vmem>>, %arg3: memref<128x64xf32, #tpu.memory_space<vmem>>, %arg4: memref<128x64xf32, #tpu.memory_space<vmem>>, %arg5: memref<1x64xf32, #tpu.memory_space<vmem>>, %arg6: memref<64x128xf32, #tpu.memory_space<vmem>>, %arg7: memref<1x128xf32, #tpu.memory_space<vmem>>, %arg8: memref<1000x128xf32, #tpu.memory_space<vmem>>) attributes {dimension_semantics = [#tpu.dimension_semantics<arbitrary>], iteration_bounds = array<i64: 10>, scalar_prefetch = 0 : i64, scratch_operands = 0 : i64, tpu.core_type = #tpu.core_type<tc>, window_params = [{transform_indices = @transform_0, window_bounds = array<i64: 1000, 128>}, {transform_indices = @transform_1, window_bounds = array<i64: 4, 1000, 128>}, {pipeline_mode = #tpu.pipeline_mode<synchronous>, transform_indices = @transform_2, window_bounds = array<i64: 128, 64>}, {pipeline_mode = #tpu.pipeline_mode<synchronous>, transform_indices = @transform_3, window_bounds = array<i64: 128, 64>}, {pipeline_mode = #tpu.pipeline_mode<synchronous>, transform_indices = @transform_4, window_bounds = array<i64: 1, 64>}, {pipeline_mode = #tpu.pipeline_mode<synchronous>, transform_indices = @transform_5, window_bounds = array<i64: 64, 128>}, {pipeline_mode = #tpu.pipeline_mode<synchronous>, transform_indices = @transform_6, window_bounds = array<i64: 1, 128>}, {transform_indices = @transform_7, window_bounds = array<i64: 1000, 128>}]} {
    %get3A = arith.constant 0 : index
    %get3A_0 = arith.constant 0 : index
    %get3A_1 = arith.constant 0 : index
    %get3A_2 = vector.load %arg2[%get3A, %get3A_0, %get3A_1] : memref<4x1000x128xf32, #tpu.memory_space<vmem>>, vector<4x1000x128xf32>
    %reduce_sum3A = arith.constant dense<0.000000e+00> : vector<1000x128xf32>
    %reduce_sum3A_3 = vector.multi_reduction <add>, %get3A_2, %reduce_sum3A [0] : vector<4x1000x128xf32> to vector<1000x128xf32>
    %get3A_4 = arith.constant 0 : index
    %get3A_5 = arith.constant 0 : index
    %get3A_6 = vector.load %arg1[%get3A_4, %get3A_5] : memref<1000x128xf32, #tpu.memory_space<vmem>>, vector<1000x128xf32>
    %get3A_7 = arith.constant 0 : index
    %get3A_8 = arith.constant 0 : index
    %get3A_9 = vector.load %arg3[%get3A_7, %get3A_8] : memref<128x64xf32, #tpu.memory_space<vmem>>, vector<128x64xf32>
    %dot_general3A = arith.constant dense<0.000000e+00> : vector<1000x64xf32>
    %dot_general3A_10 = tpu.matmul %get3A_6, %get3A_9, %dot_general3A {dimension_numbers = #tpu.dot_dimension_numbers<[1], [0], [0], [1], [0, 0, 1, 1], [], []>, transpose_lhs_hint = false} : vector<1000x128xf32>, vector<128x64xf32>, vector<1000x64xf32> -> vector<1000x64xf32>
    %get3A_11 = arith.constant 0 : index
    %get3A_12 = arith.constant 0 : index
    %get3A_13 = vector.load %arg4[%get3A_11, %get3A_12] : memref<128x64xf32, #tpu.memory_space<vmem>>, vector<128x64xf32>
    %dot_general3A_14 = arith.constant dense<0.000000e+00> : vector<1000x64xf32>
    %dot_general3A_15 = tpu.matmul %reduce_sum3A_3, %get3A_13, %dot_general3A_14 {dimension_numbers = #tpu.dot_dimension_numbers<[1], [0], [0], [1], [0, 0, 1, 1], [], []>, transpose_lhs_hint = false} : vector<1000x128xf32>, vector<128x64xf32>, vector<1000x64xf32> -> vector<1000x64xf32>
    %add3A = arith.addf %dot_general3A_10, %dot_general3A_15 : vector<1000x64xf32>
    %get3A_16 = arith.constant 0 : index
    %get3A_17 = arith.constant 0 : index
    %get3A_18 = vector.load %arg5[%get3A_16, %get3A_17] : memref<1x64xf32, #tpu.memory_space<vmem>>, vector<1x64xf32>
    %add3A_19 = vector.broadcast %get3A_18 : vector<1x64xf32> to vector<1000x64xf32>
    %add3A_20 = arith.addf %add3A, %add3A_19 : vector<1000x64xf32>
    %max3A = arith.constant 0.000000e+00 : f32
    %max3A_21 = vector.broadcast %max3A : f32 to vector<1000x64xf32>
    %max3A_22 = arith.maximumf %add3A_20, %max3A_21 : vector<1000x64xf32>
    %get3A_23 = arith.constant 0 : index
    %get3A_24 = arith.constant 0 : index
    %get3A_25 = vector.load %arg6[%get3A_23, %get3A_24] : memref<64x128xf32, #tpu.memory_space<vmem>>, vector<64x128xf32>
    %dot_general3A_26 = arith.constant dense<0.000000e+00> : vector<1000x128xf32>
    %dot_general3A_27 = tpu.matmul %max3A_22, %get3A_25, %dot_general3A_26 {dimension_numbers = #tpu.dot_dimension_numbers<[1], [0], [0], [1], [0, 0, 1, 1], [], []>, transpose_lhs_hint = false} : vector<1000x64xf32>, vector<64x128xf32>, vector<1000x128xf32> -> vector<1000x128xf32>
    %get3A_28 = arith.constant 0 : index
    %get3A_29 = arith.constant 0 : index
    %get3A_30 = vector.load %arg7[%get3A_28, %get3A_29] : memref<1x128xf32, #tpu.memory_space<vmem>>, vector<1x128xf32>
    %add3A_31 = vector.broadcast %get3A_30 : vector<1x128xf32> to vector<1000x128xf32>
    %add3A_32 = arith.addf %dot_general3A_27, %add3A_31 : vector<1000x128xf32>
    %swap3A = arith.constant 0 : index
    %swap3A_33 = arith.constant 0 : index
    %swap3A_34 = vector.load %arg8[%swap3A, %swap3A_33] : memref<1000x128xf32, #tpu.memory_space<vmem>>, vector<1000x128xf32>
    tpu.vector_store %arg8[%swap3A, %swap3A_33], %add3A_32 {strides = array<i32>} : memref<1000x128xf32, #tpu.memory_space<vmem>>, vector<1000x128xf32>,
    return
  }
  func.func @transform_0(%arg0: i32) -> (i32, i32) {
    %c0_i32 = arith.constant 0 : i32
    %c0_i32_0 = arith.constant 0 : i32
    return %arg0, %c0_i32 : i32, i32
  }
  func.func @transform_1(%arg0: i32) -> (i32, i32, i32) {
    %c0_i32 = arith.constant 0 : i32
    %c0_i32_0 = arith.constant 0 : i32
    %c0_i32_1 = arith.constant 0 : i32
    return %c0_i32, %arg0, %c0_i32_0 : i32, i32, i32
  }
  func.func @transform_2(%arg0: i32) -> (i32, i32) {
    %c0_i32 = arith.constant 0 : i32
    %c0_i32_0 = arith.constant 0 : i32
    %c0_i32_1 = arith.constant 0 : i32
    return %c0_i32, %c0_i32_0 : i32, i32
  }
  func.func @transform_3(%arg0: i32) -> (i32, i32) {
    %c0_i32 = arith.constant 0 : i32
    %c0_i32_0 = arith.constant 0 : i32
    %c0_i32_1 = arith.constant 0 : i32
    return %c0_i32, %c0_i32_0 : i32, i32
  }
  func.func @transform_4(%arg0: i32) -> (i32, i32) {
    %c0_i32 = arith.constant 0 : i32
    %c0_i32_0 = arith.constant 0 : i32
    %c0_i32_1 = arith.constant 0 : i32
    return %c0_i32, %c0_i32_0 : i32, i32
  }
  func.func @transform_5(%arg0: i32) -> (i32, i32) {
    %c0_i32 = arith.constant 0 : i32
    %c0_i32_0 = arith.constant 0 : i32
    %c0_i32_1 = arith.constant 0 : i32
    return %c0_i32, %c0_i32_0 : i32, i32
  }
  func.func @transform_6(%arg0: i32) -> (i32, i32) {
    %c0_i32 = arith.constant 0 : i32
    %c0_i32_0 = arith.constant 0 : i32
    %c0_i32_1 = arith.constant 0 : i32
    return %c0_i32, %c0_i32_0 : i32, i32
  }
  func.func @transform_7(%arg0: i32) -> (i32, i32) {
    %c0_i32 = arith.constant 0 : i32
    %c0_i32_0 = arith.constant 0 : i32
    return %arg0, %c0_i32 : i32, i32
  }
}

</mosaic_0001>

<sc_bundles>
// kernel: kernel.12.cloned.1.call-start
scs
__scs_entry_jumppad:
0x0: {  	(pc) =	sbr.rel $0x88, $3  }
0x1: {  	(tag) =	ssettag $0x0;
	lr =	simm.s32 $0x1  }
0x2: {  	[smem:$0x3F92] =	sst lr;
	_ =	strace $0xD0000000  }
0x3: {  	_ = 	snop  }
0x4: {  	_ = 	snop  }
0x5: {  	_ = 	snop  }
0x6: {  	_ = 	snop  }
0x7: {  	_ = 	snop  }
__scs_overlays_trampoline_lowered:
0x8: {  	[smem:$0x3FA1] =	sst s0  }
0x9: {  	[smem:$0x3FA2] =	sst s1  }
0xa: {  	[smem:$0x3FA3] =	sst s2  }
0xb: {  	[smem:$0x3FA4] =	sst s3  }
0xc: {  	[smem:$0x3FA5] =	sst s4  }
0xd: {  	[smem:$0x3FA6] =	sst s5  }
0xe: {  	[smem:$0x3FA7] =	sst s6  }
0xf: {  	[smem:$0x3FA8] =	sst s7  }
0x10: {  	[smem:$0x3FA9] =	sst s8  }
0x11: {  	[smem:$0x3FAA] =	sst s9;
	s0 =	simm.s32 @!p0 $0x0  }
0x12: {  	s1 =	sld [smem:$0x3F90];
	s0 =	simm.s32 @p0 $0x1  }
0x13: {  	[smem:$0x3FAB] =	sst s0;
	s0 =	simm.s32 @!p1 $0x0  }
0x14: {  	s2 =	sld [smem:$0x3F8F];
	s0 =	simm.s32 @p1 $0x1  }
0x15: {  	[smem:$0x3FAC] =	sst s0;
	s0 =	simm.s32 @!p2 $0x0  }
0x16: {  	s3 =	sld [smem:$0x3FDB];
	s0 =	simm.s32 @p2 $0x1  }
0x17: {  	s4 =	simm.s32 $0x1BF5;
	[smem:$0x3FAE] =	sst s0  }
0x18: {  	s0 =	sld [smem:$0x3F91];
	_ =	swait.ge [sflag:s4], $0x0  }
0x19: {  	s7 =	sld [smem:$0x3F92]  }
0x1a: {  	s8 =	sadd.s32 $0xFFFFE003, lr  }
0x1b: {  	s9 =	sadd.s32 $0xFFFFFEF7, lr;
	s5 =	simm.s32 $0xFFFFFFFF;
	p2 =	slt.u32 s8, $0xFFFFF086  }
0x1c: {  	p1 =	slt.u32 s9, $0xF7A;
	s5 =	simm.s32 @!p2 $0x0  }
0x1d: {  	s5 =	simm.s32 @p1 $0x1;
	p0 =	seq.s32 s7, s2  }
0x1e: {  	s7 =	smul.u32 @!p0 $0xF7A, s2;
	p2 =	seq.s32 @!p0 s5, $0x0  }
0x1f: {  	s9 =	smul.u32 $0xF7A, s1;
	s8 =	simm.s32 @!p0 $0x1BF5;
	p2 =	por !p2, p0  }
0x20: {  	[sflag:s8] =	ssyncset.s32 @!p0 $0xFFFFF086;
	s6 =	sadd.s32 @!p0 s3, s7;
	s7 =	simm.s32 @!p0 $0x108  }
0x21: {  	s3 =	sadd.s32 s3, s9;
	s6 =	sadd.s32 @!p0 $0x88, s6;
	s7 =	simm.s32 @p2 $0x1082  }
0x22: {  	[simem:s7], [sflag:s8] =	dma.local @!p0 [hbm:s6], $0xF7A  }
0x23: {  	s9 =	sor.u32 $0xD0000000, s2;
	s6 =	simm.s32 $0x108;
	_ =	swait.ge @!p0 [sflag:s8], $0x0  }
0x24: {  	s3 =	sadd.s32 $0x88, s3;
	s6 =	simm.s32 @!p1 $0x1082;
	[sflag:s4] =	ssyncset.s32 $0xFFFFF086  }
0x25: {  	[simem:s6], [sflag:s4] =	dma.local [hbm:s3], $0xF7A  }
0x26: {  	[smem:$0x3F92] =	sst s1;
	(tag) =	ssettag s2;
	_ =	strace s9  }
0x27: {  	s1 =	sld [smem:$0x3FA2]  }
0x28: {  	s2 =	sld [smem:$0x3FA3]  }
0x29: {  	s4 =	sld [smem:$0x3FA5]  }
0x2a: {  	p0 =	seq.s32 s5, $0x0;
	s5 =	sld [smem:$0x3FA6]  }
0x2b: {  	s6 =	sld [smem:$0x3FA7]  }
0x2c: {  	s7 =	sld [smem:$0x3FA8]  }
0x2d: {  	s3 =	simm.s32 $0x108;
	s8 =	sld [smem:$0x3FA9]  }
0x2e: {  	s3 =	simm.s32 @!p0 $0x1082;
	s9 =	sld [smem:$0x3FAA]  }
0x2f: {  	lr =	sadd.s32 s0, s3;
	s0 =	sld [smem:$0x3FA1]  }
0x30: {  	s3 =	sld [smem:$0x3FA4]  }
0x31: {  	[smem:$0x3FAD] =	sst s10  }
0x32: {  	s10 =	sld [smem:$0x3FAB];
	_ =	sdelay $0x3  }
0x33: {  	p0 =	seq.s32 s10, $0x1;
	s10 =	sld [smem:$0x3FAD];
	_ =	sdelay $0x3  }
0x34: {  	[smem:$0x3FAD] =	sst s10  }
0x35: {  	s10 =	sld [smem:$0x3FAC];
	_ =	sdelay $0x3  }
0x36: {  	p1 =	seq.s32 s10, $0x1;
	s10 =	sld [smem:$0x3FAD];
	_ =	sdelay $0x3  }
0x37: {  	[smem:$0x3FAD] =	sst s10  }
0x38: {  	s10 =	sld [smem:$0x3FAE]  }
0x39: {  	_ = 	snop;
	(pc) =	sbr.ind lr, $3  }
0x3a: {  	_ = 	snop  }
0x3b: {  	_ = 	snop  }
0x3c: {  	p2 =	seq.s32 s10, $0x1;
	s10 =	sld [smem:$0x3FAD]  }
0x3d: {  	_ =	shalt  }
0x3e: {  	_ =	shalt  }
0x3f: {  	_ =	shalt  }
0x40: {  	_ =	shalt  }
0x41: {  	_ =	shalt  }
0x42: {  	_ =	shalt  }
0x43: {  	_ =	shalt  }
0x44: {  	_ =	shalt  }
0x45: {  	_ =	shalt  }
0x46: {  	_ =	shalt  }
0x47: {  	_ =	shalt  }
0x48: {  	_ =	shalt  }
0x49: {  	_ =	shalt  }
0x4a: {  	_ =	shalt  }
0x4b: {  	_ =	shalt  }
0x4c: {  	_ =	shalt  }
0x4d: {  	_ =	shalt  }
0x4e: {  	_ =	shalt  }
0x4f: {  	_ =	shalt  }
0x50: {  	_ =	shalt  }
0x51: {  	_ =	shalt  }
0x52: {  	_ =	shalt  }
0x53: {  	_ =	shalt  }
0x54: {  	_ =	shalt  }
0x55: {  	_ =	shalt  }
0x56: {  	_ =	shalt  }
0x57: {  	_ =	shalt  }
0x58: {  	_ =	shalt  }
0x59: {  	_ =	shalt  }
0x5a: {  	_ =	shalt  }
0x5b: {  	_ =	shalt  }
0x5c: {  	_ =	shalt  }
0x5d: {  	_ =	shalt  }
0x5e: {  	_ =	shalt  }
0x5f: {  	_ =	shalt  }
0x60: {  	_ =	shalt  }
0x61: {  	_ =	shalt  }
0x62: {  	_ =	shalt  }
0x63: {  	_ =	shalt  }
0x64: {  	_ =	shalt  }
0x65: {  	_ =	shalt  }
0x66: {  	_ =	shalt  }
0x67: {  	_ =	shalt  }
0x68: {  	_ =	shalt  }
0x69: {  	_ =	shalt  }
0x6a: {  	_ =	shalt  }
0x6b: {  	_ =	shalt  }
0x6c: {  	_ =	shalt  }
0x6d: {  	_ =	shalt  }
0x6e: {  	_ =	shalt  }
0x6f: {  	_ =	shalt  }
0x70: {  	_ =	shalt  }
0x71: {  	_ =	shalt  }
0x72: {  	_ =	shalt  }
0x73: {  	_ =	shalt  }
0x74: {  	_ =	shalt  }
0x75: {  	_ =	shalt  }
0x76: {  	_ =	shalt  }
0x77: {  	_ =	shalt  }
0x78: {  	_ =	shalt  }
0x79: {  	_ =	shalt  }
0x7a: {  	_ =	shalt  }
0x7b: {  	_ =	shalt  }
0x7c: {  	_ =	shalt  }
0x7d: {  	_ =	shalt  }
0x7e: {  	_ =	shalt  }
0x7f: {  	_ =	shalt  }
0x80: {  	_ =	shalt  }
0x81: {  	_ =	shalt  }
0x82: {  	_ =	shalt  }
0x83: {  	_ =	shalt  }
0x84: {  	_ =	shalt  }
0x85: {  	_ =	shalt  }
0x86: {  	_ =	shalt  }
0x87: {  	_ =	shalt  }
.Lfunc_end0:
.L_simem_size_0:
called_computation.1_lowered:
.L_overlay_start_0:
0x88: {  	s2 =	sld [smem:$0x3FD9]  }
0x89: {  	s3 =	sld [smem:$0x3FFE];
	_ =	sdelay $0x1  }
0x8a: {  	s1 =	srdreg.scid  }
0x8b: {  	s0 =	sand.u32 $0x1, s1  }
0x8c: {  	s17 =	sshll.u32 s0, $0xA;
	s2 =	sadd.s32 s3, s2  }
0x8d: {  	s2 =	sadd.s32 s2, s17  }
0x8e: {  	[smem:$0x3FB9] =	sst s2  }
0x8f: {  	_ = 	snop  }
0x90: {  	(tm) =	ssettm $0x1  }
0x91: {  	s18 =	sld [smem:$0x3FFB];
	_ =	sdelay $0x3  }
0x92: {  	_ =	strace s18  }
0x93: {  	s2 =	sld [smem:$0x3FFC];
	_ =	sdelay $0x3  }
0x94: {  	_ =	strace s2  }
0x95: {  	s2 =	sld [smem:$0x3FFD];
	_ =	sdelay $0x3  }
0x96: {  	_ =	strace s2  }
0x97: {  	_ =	strace $0x8FFFFFFF  }
0x98: {  	s19 =	sld [smem:$0x3FDB];
	_ =	sdelay $0x1  }
0x99: {  	s20 =	simm.s32 $_scs_section_size  }
0x9a: {  	s4 =	simm.s32 $_size__tile_overlayer_lowered;
	s5 =	simm.s32 $_tile_overlayer_lowered  }
0x9b: {  	s6 =	simm.s32 $0x1BFF;
	s21 =	sshll.u32 s5, $0x1;
	s3 =	sadd.s32 s20, s19  }
0x9c: {  	s22 =	simm.s32 $0x0;
	s4 =	sshll.u32 s4, $0x1;
	s5 =	sadd.s32 s21, s3  }
0x9d: {  	[timem:s22], [sflag:s6] =	dma.local [hbm:s5], s4  }
0x9e: {  	_ =	swait.ge [sflag:s6], s4  }
0x9f: {  	s4 =	ssub.s32 $0x0, s4;
	[sflag:s6] =	ssyncset.done $0x0  }
0xa0: {  	[sflag:s6] =	ssyncadd.s32 s4;
	_ =	sdelay $0x1  }
0xa1: {  	s23 =	simm.s32 $0x1B8B  }
0xa2: {  	_ =	swait.ge [sflag:s23], $0x1  }
0xa3: {  	[sflag:s23] =	ssyncset.done $0x0  }
0xa4: {  	[sflag:s23] =	ssyncadd.s32 $0xFFFFFFFF  }
0xa5: {  	s4 =	sld [smem:$0x0]  }
0xa6: {  	s5 =	sand.u32 $0xFFFFFFFE, s1  }
0xa7: {  	p0 =	sne.s32 s1, s5  }
0xa8: {  	s5 =	sshll.u32 @p0 s5, $0xE  }
0xa9: {  	s5 =	sadd.s32 @p0 $0x11B8D, s5;
	s6 =	sshll.u32 @p0 s4, $0x11  }
0xaa: {  	s5 =	sor.u32 @p0 s6, s5  }
0xab: {  	[sflag:s5] =	ssyncadd.remote.s32 @p0 $0x1;
	_ =	sdelay $0x1  }
0xac: {  	s5 =	simm.s32 @p0 $0x1B8D  }
0xad: {  	_ =	swait.eq @p0 [sflag:s5], $0x1  }
0xae: {  	[sflag:s5] =	ssyncadd.s32 @p0 $0xFFFFFFFF  }
0xaf: {  	s6 =	sshll.u32 @!p0 s1, $0xE  }
0xb0: {  	s6 =	sor.u32 @!p0 $0x4000, s6;
	s5 =	simm.s32 @!p0 $0x1B8D  }
0xb1: {  	s4 =	sshll.u32 @!p0 s4, $0x11;
	s6 =	sadd.s32 @!p0 $0x11B8D, s6;
	_ =	swait.eq @!p0 [sflag:s5], $0x1  }
0xb2: {  	s4 =	sor.u32 @!p0 s4, s6;
	[sflag:s5] =	ssyncadd.s32 @!p0 $0xFFFFFFFF  }
0xb3: {  	s25 =	simm.s32 $0x1B8E;
	s24 =	sld [smem:$0x3FFE];
	[sflag:s4] =	ssyncadd.remote.s32 @!p0 $0x1  }
0xb4: {  	s26 =	simm.s32 $execute0_lowered;
	[smem:$0x3FD2] =	sst s25  }
0xb5: {  	s5 =	sshll.u32 s26, $0x1;
	_ =	strace $0x8000004F;
	[dreg:$0x1] =	wrdreg $0xFFFFFFFF  }
0xb6: {  	s28 =	simm.s32 $_size_execute0_lowered;
	s3 =	sadd.s32 s3, s5;
	[dreg:$0x0] =	wrdreg $0x0  }
0xb7: {  	s5 =	sshll.u32 s28, $0x1;
	[dreg:$0x2] =	wrdreg s3  }
0xb8: {  	[dreg:$0x3] =	wrdreg s5  }
0xb9: {  	[dreg:$0x4] =	wrdreg $0xC0  }
0xba: {  	_ =	task [dreg:s22], $0x5FFFF  }
0xbb: {  	[dreg:$0x1] =	wrdreg $0xFFFFFFFF  }
0xbc: {  	[dreg:$0x0] =	wrdreg $0x60  }
0xbd: {  	[dreg:$0x2] =	wrdreg s24  }
0xbe: {  	[dreg:$0x3] =	wrdreg $0x28800  }
0xbf: {  	[dreg:$0x4] =	wrdreg $0x9  }
0xc0: {  	_ =	task.clear_ibuf [dreg:s22], $0x5FFFF;
	_ =	strace $0x9000004F  }
0xc1: {  	s29 =	simm.s32 $0x9;
	_ =	strace $0x80000051  }
0xc2: {  	_ =	swait.ge [sflag:s29], $0x1  }
0xc3: {  	[sflag:s29] =	ssyncadd.s32 $0xFFFFFFFF  }
0xc4: {  	_ =	strace $0x90000051  }
0xc5: {  	_ =	sfence  }
0xc6: {  	s30 =	sld [smem:$0x0];
	_ =	sdelay $0x2  }
0xc7: {  	s31 =	sshll.u32 s1, $0xD;
	s1 =	sshrl.u32 s1, $0x2  }
0xc8: {  	s4 =	sand.u32 $0x4000, s31;
	s1 =	sadd.s32 s1, s30  }
0xc9: {  	s0 =	sor.u32 s4, s0;
	s1 =	sshll.u32 s1, $0x11  }
0xca: {  	s0 =	sor.u32 s1, s0  }
0xcb: {  	s0 =	sadd.s32 $0x8F2B, s0  }
0xcc: {  	[sflag:s0] =	ssyncadd.remote.s32 $0x1  }
0xcd: {  	_ =	sfence.sel $0xFFFF  }
0xce: {  	[dreg:$0x0] =	wrdreg $0xFFFFFFFF;
	(pc) =	sbr.abs _section_cstart, $3  }
0xcf: {  	[dreg:$0x1] =	wrdreg $0xFFFFFFFF  }
0xd0: {  	_ =	task.clear_ibuf [dreg:s22], $0x2FFFF;
	_ =	strace $0x9FFFFFFF  }
0xd1: {  	(tm) =	ssettm $0x7FFFFFFF  }
tec
execute0_lowered:
.L_overlay_start_1:
0x0: {  	(tag) =	ssettag $0x1  }
0x1: {  	s0 =	stileid.u32  }
0x2: {  	s4 =	rddreg [dreg:$0x0];
	s6 =	smul.u32 $0x26C0, s0  }
0x3: {  	s1 =	srdreg.scid;
	s8 =	smul.u32 $0x26C00, s0  }
0x4: {  	s2 =	rddreg [dreg:$0x1];
	s3 =	simm.s32 $0x0;
	s13 =	smul.u32 $0x2800, s0  }
0x5: {  	s5 =	sand.u32 $0x1, s1;
	s1 =	rddreg [dreg:$0x2];
	s10 =	smul.u32 $0x50000, s0  }
0x6: {  	[smem:$0x7FF] =	sst s3;
	s31 =	sshll.u32 s0, $0x6;
	s7 =	smul.u32 $0x1360, s5  }
0x7: {  	_ =	strace $0x80000050;
	s25 =	smul.u32 $0x28000, s5;
	s26 =	ssub.s32 $0x2, s5  }
0x8: {  	s30 =	smul.u32 $0x13600, s5;
	s5 =	sor.u32 $0x1C01, s31;
	s24 =	sadd.s32 s8, s4  }
0x9: {  	s11 =	sadd.s32 s13, s4;
	s28 =	sshrl.u32 s26, $0x1;
	s29 =	sshrl.u32 s10, $0x2  }
0xa: {  	s10 =	simm.s32 $0x1;
	s6 =	sadd.s32 s7, s6;
	s8 =	sadd.s32 s25, s4  }
0xb: {  	s12 =	sadd.s32 s29, s2;
	s7 =	sadd.s32 s30, s24;
	s6 =	sshrl.u32 s6, $0x3  }
0xc: {  	s14 =	sadd.s32 $0x2ECA00, s8;
	s7 =	sadd.s32 $0x80A00, s7;
	s9 =	sadd.s32 s6, s4  }
0xd: {  	s6 =	ssub.s32 s26, s28;
	s4 =	sadd.s32 $0x8A00, s11;
	s11 =	simm.s32 $0x80  }
0xe: {  	s13 =	sadd.s32 s13, s14;
	s14 =	simm.s32 $0x0;
	s6 =	smax.u32 s6, $0x1  }
0xf: {  	s8 =	sadd.s32 $0x4F9800, s9;
	s9 =	sshrl.u32 s12, $0x3;
	s12 =	simm.s32 $0x50  }
.LBB2_1:
0x10: {  	[spmem:s9], [sflag:s5] =	dma.local [hbm:s4], $0x2800  }
0x11: {  	_ =	swait.ge [sflag:s10], $0x2800  }
0x12: {  	[sflag:s10] =	ssyncset.done $0x0  }
0x13: {  	[sflag:s10] =	ssyncadd.s32 $0xFFFFD800  }
0x14: {  	s15 =	sadd.s32 $0x0, s8;
	[bflag:$0x0] =	sbarrier.arrive $0xFFFF  }
0x15: {  	[tilespmem:s3], [sflag:$0x1] =	stream.linear.gather [hbm4b:s15+s3], $0x50, $0x38;
	[tilespmem:$0x16880] =	vst v63  }
0x16: {  	_ =	swait.ge [sflag:s10], $0x50  }
0x17: {  	[sflag:s10] =	ssyncset.done $0x0  }
0x18: {  	[sflag:s10] =	ssyncadd.s32 $0xFFFFFFB0  }
0x19: {  	[tilespmem:s11], [sflag:$0x1] =	stream.linear.gather [hbm4b:s7+s3], $0x2800, $0x38;
	[tilespmem:$0x16880] =	vst v63  }
0x1a: {  	_ =	swait.ge [sflag:s10], $0x2800  }
0x1b: {  	[sflag:s10] =	ssyncset.done $0x0  }
0x1c: {  	[sflag:s10] =	ssyncadd.s32 $0xFFFFD800  }
0x1d: {  	[spmem:s2] =	stream.indirect.scatter.add.f32 [tilespmem:s11], [sflag:$0x1], $0x80, s3, s12, $0xb8;
	[tilespmem:$0x16880] =	vst v63  }
0x1e: {  	s16 =	simm.s32 $0xA;
	_ =	swait.ge [sflag:s10], $0x2800  }
0x1f: {  	s17 =	simm.s32 $0x14;
	s15 =	sadd.s32 $0x500, s7;
	[sflag:s10] =	ssyncset.done $0x0  }
.LBB2_2:
0x20: {  	s18 =	sadd.s32 s16, s8  }
0x21: {  	[sflag:s10] =	ssyncadd.s32 $0xFFFFD800;
	s16 =	smov.u32 s17;
	s19 =	sadd.s32 $0xA, s17  }
0x22: {  	[tilespmem:s3], [sflag:$0x1] =	stream.linear.gather [hbm4b:s18+s3], $0x50, $0x38;
	[tilespmem:$0x16880] =	vst v63  }
0x23: {  	p0 =	sne.s32 s17, $0x262;
	_ =	swait.ge [sflag:s10], $0x50  }
0x24: {  	[sflag:s10] =	ssyncset.done $0x0  }
0x25: {  	[sflag:s10] =	ssyncadd.s32 $0xFFFFFFB0  }
0x26: {  	[tilespmem:s11], [sflag:$0x1] =	stream.linear.gather [hbm4b:s15+s3], $0x2800, $0x38;
	[tilespmem:$0x16880] =	vst v63  }
0x27: {  	_ =	swait.ge [sflag:s10], $0x2800  }
.Ltmp0:
0x28: {  	[sflag:s10] =	ssyncset.done $0x0;
	(pc) =	sbr.rel @p0 .LBB2_2-.Ltmp0, $4  }
0x29: {  	[sflag:s10] =	ssyncadd.s32 $0xFFFFD800  }
0x2a: {  	[spmem:s2] =	stream.indirect.scatter.add.f32 [tilespmem:s11], [sflag:$0x1], $0x80, s3, s12, $0xb8;
	[tilespmem:$0x16880] =	vst v63  }
0x2b: {  	_ =	swait.ge [sflag:s10], $0x2800  }
0x2c: {  	s17 =	smov.u32 s19;
	s15 =	sadd.s32 $0x500, s15;
	[sflag:s10] =	ssyncset.done $0x0  }
0x2d: {  	s16 =	sadd.s32 s16, s8;
	[sflag:s10] =	ssyncadd.s32 $0xFFFFD800  }
0x2e: {  	[tilespmem:s3], [sflag:$0x1] =	stream.linear.gather [hbm4b:s16+s3], $0x50, $0x38;
	[tilespmem:$0x16880] =	vst v63  }
0x2f: {  	_ =	swait.ge [sflag:s10], $0x50  }
0x30: {  	[sflag:s10] =	ssyncset.done $0x0  }
0x31: {  	[sflag:s10] =	ssyncadd.s32 $0xFFFFFFB0  }
0x32: {  	[tilespmem:s11], [sflag:$0x1] =	stream.linear.gather [hbm4b:s15+s3], $0x2800, $0x38;
	[tilespmem:$0x16880] =	vst v63  }
0x33: {  	_ =	swait.ge [sflag:s10], $0x2800  }
0x34: {  	[sflag:s10] =	ssyncset.done $0x0  }
0x35: {  	[sflag:s10] =	ssyncadd.s32 $0xFFFFD800  }
0x36: {  	[spmem:s2] =	stream.indirect.scatter.add.f32 [tilespmem:s11], [sflag:$0x1], $0x80, s3, s12, $0xb8;
	[tilespmem:$0x16880] =	vst v63  }
0x37: {  	_ =	swait.ge [sflag:s10], $0x2800  }
0x38: {  	s14 =	sadd.s32 $0x1, s14;
	[sflag:s10] =	ssyncset.done $0x0  }
0x39: {  	p0 =	sne.s32 s14, s6;
	[sflag:s10] =	ssyncadd.s32 $0xFFFFD800  }
.Ltmp1:
0x3a: {  	[bflag:$0x0] =	sbarrier.arrive $0xFFFF;
	(pc) =	sbr.rel @p0 .LBB2_1-.Ltmp1, $4  }
0x3b: {  	[hbm:s13], [sflag:s5] =	dma.local [spmem:s9], $0x2800  }
0x3c: {  	_ =	swait.ge [sflag:s10], $0x2800  }
0x3d: {  	[sflag:s10] =	ssyncset.done $0x0  }
0x3e: {  	[sflag:s10] =	ssyncadd.s32 $0xFFFFD800  }
0x3f: {  	_ =	sfence.sel $0x180000  }
0x40: {  	[bflag:$0x0] =	sbarrier.arrive $0xFFFF  }
0x41: {  	p0 =	sne.s32 s0, $0x0;
	_ =	strace $0x90000050  }
0x42: {  	s0 =	sadd.s32 @!p0 $0x100000, s1;
	[bflag:$0x2] =	sbarrier.arrive $0xFFFF  }
0x43: {  	[sflag:s0] =	ssyncadd.tile.s32 @!p0 $0x1;
	_ =	shalt  }
.Lfunc_end2:
_tile_overlayer_lowered:
.L_overlay_start_2:
0x44: {  	(tag) =	ssettag $0x2  }
0x45: {  	s0 =	rddreg [dreg:$0x0];
	s2 =	stileid.u32  }
0x46: {  	s1 =	rddreg [dreg:$0x1];
	p0 =	sne.s32 s2, $0x0  }
0x47: {  	s3 =	rddreg [dreg:$0x2];
	[bflag:$0x3] =	sbarrier.arrive $0xFFFF;
	s2 =	simm.s32 @!p0 $0x1C01  }
0x48: {  	[timem:s3], [sflag:s2] =	dma.local @!p0 [hbm:s0], s1  }
0x49: {  	s0 =	simm.s32 @!p0 $0x1  }
0x4a: {  	_ =	swait.ge @!p0 [sflag:s0], s1  }
0x4b: {  	s1 =	ssub.s32 @!p0 $0x0, s1;
	[sflag:s0] =	ssyncset.done @!p0 $0x0  }
0x4c: {  	[sflag:s0] =	ssyncadd.s32 @!p0 s1  }
0x4d: {  	[bflag:$0x3] =	sbarrier.arrive $0xFFFF  }
0x4e: {  	_ =	shalt  }

// kernel: kernel.15.cloned.1.call-start
scs
__scs_entry_jumppad:
0x0: {  	(pc) =	sbr.rel $0x88, $3  }
0x1: {  	(tag) =	ssettag $0x0;
	lr =	simm.s32 $0x1  }
0x2: {  	[smem:$0x3F92] =	sst lr;
	_ =	strace $0xD0000000  }
0x3: {  	_ = 	snop  }
0x4: {  	_ = 	snop  }
0x5: {  	_ = 	snop  }
0x6: {  	_ = 	snop  }
0x7: {  	_ = 	snop  }
__scs_overlays_trampoline_lowered:
0x8: {  	[smem:$0x3FA1] =	sst s0  }
0x9: {  	[smem:$0x3FA2] =	sst s1  }
0xa: {  	[smem:$0x3FA3] =	sst s2  }
0xb: {  	[smem:$0x3FA4] =	sst s3  }
0xc: {  	[smem:$0x3FA5] =	sst s4  }
0xd: {  	[smem:$0x3FA6] =	sst s5  }
0xe: {  	[smem:$0x3FA7] =	sst s6  }
0xf: {  	[smem:$0x3FA8] =	sst s7  }
0x10: {  	[smem:$0x3FA9] =	sst s8  }
0x11: {  	[smem:$0x3FAA] =	sst s9;
	s0 =	simm.s32 @!p0 $0x0  }
0x12: {  	s1 =	sld [smem:$0x3F90];
	s0 =	simm.s32 @p0 $0x1  }
0x13: {  	[smem:$0x3FAB] =	sst s0;
	s0 =	simm.s32 @!p1 $0x0  }
0x14: {  	s2 =	sld [smem:$0x3F8F];
	s0 =	simm.s32 @p1 $0x1  }
0x15: {  	[smem:$0x3FAC] =	sst s0;
	s0 =	simm.s32 @!p2 $0x0  }
0x16: {  	s3 =	sld [smem:$0x3FDB];
	s0 =	simm.s32 @p2 $0x1  }
0x17: {  	s4 =	simm.s32 $0x1BF5;
	[smem:$0x3FAE] =	sst s0  }
0x18: {  	s0 =	sld [smem:$0x3F91];
	_ =	swait.ge [sflag:s4], $0x0  }
0x19: {  	s7 =	sld [smem:$0x3F92]  }
0x1a: {  	s8 =	sadd.s32 $0xFFFFE003, lr  }
0x1b: {  	s9 =	sadd.s32 $0xFFFFFEF7, lr;
	s5 =	simm.s32 $0xFFFFFFFF;
	p2 =	slt.u32 s8, $0xFFFFF086  }
0x1c: {  	p1 =	slt.u32 s9, $0xF7A;
	s5 =	simm.s32 @!p2 $0x0  }
0x1d: {  	s5 =	simm.s32 @p1 $0x1;
	p0 =	seq.s32 s7, s2  }
0x1e: {  	s7 =	smul.u32 @!p0 $0xF7A, s2;
	p2 =	seq.s32 @!p0 s5, $0x0  }
0x1f: {  	s9 =	smul.u32 $0xF7A, s1;
	s8 =	simm.s32 @!p0 $0x1BF5;
	p2 =	por !p2, p0  }
0x20: {  	[sflag:s8] =	ssyncset.s32 @!p0 $0xFFFFF086;
	s6 =	sadd.s32 @!p0 s3, s7;
	s7 =	simm.s32 @!p0 $0x108  }
0x21: {  	s3 =	sadd.s32 s3, s9;
	s6 =	sadd.s32 @!p0 $0x88, s6;
	s7 =	simm.s32 @p2 $0x1082  }
0x22: {  	[simem:s7], [sflag:s8] =	dma.local @!p0 [hbm:s6], $0xF7A  }
0x23: {  	s9 =	sor.u32 $0xD0000000, s2;
	s6 =	simm.s32 $0x108;
	_ =	swait.ge @!p0 [sflag:s8], $0x0  }
0x24: {  	s3 =	sadd.s32 $0x88, s3;
	s6 =	simm.s32 @!p1 $0x1082;
	[sflag:s4] =	ssyncset.s32 $0xFFFFF086  }
0x25: {  	[simem:s6], [sflag:s4] =	dma.local [hbm:s3], $0xF7A  }
0x26: {  	[smem:$0x3F92] =	sst s1;
	(tag) =	ssettag s2;
	_ =	strace s9  }
0x27: {  	s1 =	sld [smem:$0x3FA2]  }
0x28: {  	s2 =	sld [smem:$0x3FA3]  }
0x29: {  	s4 =	sld [smem:$0x3FA5]  }
0x2a: {  	p0 =	seq.s32 s5, $0x0;
	s5 =	sld [smem:$0x3FA6]  }
0x2b: {  	s6 =	sld [smem:$0x3FA7]  }
0x2c: {  	s7 =	sld [smem:$0x3FA8]  }
0x2d: {  	s3 =	simm.s32 $0x108;
	s8 =	sld [smem:$0x3FA9]  }
0x2e: {  	s3 =	simm.s32 @!p0 $0x1082;
	s9 =	sld [smem:$0x3FAA]  }
0x2f: {  	lr =	sadd.s32 s0, s3;
	s0 =	sld [smem:$0x3FA1]  }
0x30: {  	s3 =	sld [smem:$0x3FA4]  }
0x31: {  	[smem:$0x3FAD] =	sst s10  }
0x32: {  	s10 =	sld [smem:$0x3FAB];
	_ =	sdelay $0x3  }
0x33: {  	p0 =	seq.s32 s10, $0x1;
	s10 =	sld [smem:$0x3FAD];
	_ =	sdelay $0x3  }
0x34: {  	[smem:$0x3FAD] =	sst s10  }
0x35: {  	s10 =	sld [smem:$0x3FAC];
	_ =	sdelay $0x3  }
0x36: {  	p1 =	seq.s32 s10, $0x1;
	s10 =	sld [smem:$0x3FAD];
	_ =	sdelay $0x3  }
0x37: {  	[smem:$0x3FAD] =	sst s10  }
0x38: {  	s10 =	sld [smem:$0x3FAE]  }
0x39: {  	_ = 	snop;
	(pc) =	sbr.ind lr, $3  }
0x3a: {  	_ = 	snop  }
0x3b: {  	_ = 	snop  }
0x3c: {  	p2 =	seq.s32 s10, $0x1;
	s10 =	sld [smem:$0x3FAD]  }
0x3d: {  	_ =	shalt  }
0x3e: {  	_ =	shalt  }
0x3f: {  	_ =	shalt  }
0x40: {  	_ =	shalt  }
0x41: {  	_ =	shalt  }
0x42: {  	_ =	shalt  }
0x43: {  	_ =	shalt  }
0x44: {  	_ =	shalt  }
0x45: {  	_ =	shalt  }
0x46: {  	_ =	shalt  }
0x47: {  	_ =	shalt  }
0x48: {  	_ =	shalt  }
0x49: {  	_ =	shalt  }
0x4a: {  	_ =	shalt  }
0x4b: {  	_ =	shalt  }
0x4c: {  	_ =	shalt  }
0x4d: {  	_ =	shalt  }
0x4e: {  	_ =	shalt  }
0x4f: {  	_ =	shalt  }
0x50: {  	_ =	shalt  }
0x51: {  	_ =	shalt  }
0x52: {  	_ =	shalt  }
0x53: {  	_ =	shalt  }
0x54: {  	_ =	shalt  }
0x55: {  	_ =	shalt  }
0x56: {  	_ =	shalt  }
0x57: {  	_ =	shalt  }
0x58: {  	_ =	shalt  }
0x59: {  	_ =	shalt  }
0x5a: {  	_ =	shalt  }
0x5b: {  	_ =	shalt  }
0x5c: {  	_ =	shalt  }
0x5d: {  	_ =	shalt  }
0x5e: {  	_ =	shalt  }
0x5f: {  	_ =	shalt  }
0x60: {  	_ =	shalt  }
0x61: {  	_ =	shalt  }
0x62: {  	_ =	shalt  }
0x63: {  	_ =	shalt  }
0x64: {  	_ =	shalt  }
0x65: {  	_ =	shalt  }
0x66: {  	_ =	shalt  }
0x67: {  	_ =	shalt  }
0x68: {  	_ =	shalt  }
0x69: {  	_ =	shalt  }
0x6a: {  	_ =	shalt  }
0x6b: {  	_ =	shalt  }
0x6c: {  	_ =	shalt  }
0x6d: {  	_ =	shalt  }
0x6e: {  	_ =	shalt  }
0x6f: {  	_ =	shalt  }
0x70: {  	_ =	shalt  }
0x71: {  	_ =	shalt  }
0x72: {  	_ =	shalt  }
0x73: {  	_ =	shalt  }
0x74: {  	_ =	shalt  }
0x75: {  	_ =	shalt  }
0x76: {  	_ =	shalt  }
0x77: {  	_ =	shalt  }
0x78: {  	_ =	shalt  }
0x79: {  	_ =	shalt  }
0x7a: {  	_ =	shalt  }
0x7b: {  	_ =	shalt  }
0x7c: {  	_ =	shalt  }
0x7d: {  	_ =	shalt  }
0x7e: {  	_ =	shalt  }
0x7f: {  	_ =	shalt  }
0x80: {  	_ =	shalt  }
0x81: {  	_ =	shalt  }
0x82: {  	_ =	shalt  }
0x83: {  	_ =	shalt  }
0x84: {  	_ =	shalt  }
0x85: {  	_ =	shalt  }
0x86: {  	_ =	shalt  }
0x87: {  	_ =	shalt  }
.Lfunc_end0:
.L_simem_size_0:
called_computation.2_lowered:
.L_overlay_start_0:
0x88: {  	s2 =	sld [smem:$0x3FD9]  }
0x89: {  	s3 =	sld [smem:$0x3FFE];
	_ =	sdelay $0x1  }
0x8a: {  	s1 =	srdreg.scid  }
0x8b: {  	s0 =	sand.u32 $0x1, s1  }
0x8c: {  	s17 =	sshll.u32 s0, $0xA;
	s2 =	sadd.s32 s3, s2  }
0x8d: {  	s2 =	sadd.s32 s2, s17  }
0x8e: {  	[smem:$0x3FB9] =	sst s2  }
0x8f: {  	_ = 	snop  }
0x90: {  	s2 =	sld [smem:$0x3FC9]  }
0x91: {  	s18 =	sld [smem:$0x3FC8]  }
0x92: {  	s4 =	sld [smem:$0x3FD0];
	(tm) =	ssettm $0x1  }
0x93: {  	s5 =	sld [smem:$0x3FFB];
	_ =	sdelay $0x3  }
0x94: {  	_ =	strace s5  }
0x95: {  	s5 =	sld [smem:$0x3FFC];
	_ =	sdelay $0x3  }
0x96: {  	_ =	strace s5  }
0x97: {  	s5 =	sld [smem:$0x3FFD];
	_ =	sdelay $0x3  }
0x98: {  	_ =	strace s5  }
0x99: {  	_ =	strace $0x8FFFFFFF  }
0x9a: {  	s19 =	sld [smem:$0x3FDB];
	_ =	sdelay $0x1  }
0x9b: {  	s6 =	simm.s32 $_scs_section_size  }
0x9c: {  	s7 =	simm.s32 $_size__tile_overlayer_lowered;
	s8 =	simm.s32 $_tile_overlayer_lowered  }
0x9d: {  	s22 =	simm.s32 $0x1BFF;
	s21 =	sshll.u32 s8, $0x1;
	s5 =	sadd.s32 s6, s19  }
0x9e: {  	s9 =	simm.s32 $0x0;
	s20 =	sshll.u32 s7, $0x1;
	s7 =	sadd.s32 s21, s5  }
0x9f: {  	[timem:s9], [sflag:s22] =	dma.local [hbm:s7], s20  }
0xa0: {  	_ =	swait.ge [sflag:s22], s20  }
0xa1: {  	s6 =	ssub.s32 $0x0, s20;
	[sflag:s22] =	ssyncset.done $0x0  }
0xa2: {  	[sflag:s22] =	ssyncadd.s32 s6;
	_ =	sdelay $0x1  }
0xa3: {  	s23 =	simm.s32 $0x1B8B  }
0xa4: {  	_ =	swait.ge [sflag:s23], $0x1  }
0xa5: {  	[sflag:s23] =	ssyncset.done $0x0  }
0xa6: {  	s25 =	simm.s32 $0x1B8E;
	s24 =	sld [smem:$0x3FFE];
	[sflag:s23] =	ssyncadd.s32 $0xFFFFFFFF  }
0xa7: {  	s26 =	simm.s32 $execute0_lowered;
	[smem:$0x3FD2] =	sst s25  }
0xa8: {  	s7 =	sshll.u32 s26, $0x1;
	_ =	strace $0x80000046;
	[dreg:$0x1] =	wrdreg $0xFFFFFFFF  }
0xa9: {  	s28 =	simm.s32 $_size_execute0_lowered;
	s5 =	sadd.s32 s5, s7;
	[dreg:$0x0] =	wrdreg $0x0  }
0xaa: {  	s7 =	sshll.u32 s28, $0x1;
	[dreg:$0x2] =	wrdreg s5  }
0xab: {  	[dreg:$0x3] =	wrdreg s7  }
0xac: {  	[dreg:$0x4] =	wrdreg $0xC0  }
0xad: {  	_ =	task [dreg:s9], $0x5FFFF  }
0xae: {  	[dreg:$0x1] =	wrdreg $0xFFFFFFFF  }
0xaf: {  	[dreg:$0x0] =	wrdreg $0x60  }
0xb0: {  	[dreg:$0x2] =	wrdreg s2  }
0xb1: {  	[dreg:$0x3] =	wrdreg s18  }
0xb2: {  	[dreg:$0x4] =	wrdreg s4  }
0xb3: {  	[dreg:$0x5] =	wrdreg s24  }
0xb4: {  	[dreg:$0x6] =	wrdreg $0xA  }
0xb5: {  	_ =	task.clear_ibuf [dreg:s9], $0x7FFFF;
	_ =	strace $0x90000046  }
0xb6: {  	s29 =	simm.s32 $0xA;
	_ =	strace $0x80000048  }
0xb7: {  	_ =	swait.ge [sflag:s29], $0x1  }
0xb8: {  	[sflag:s29] =	ssyncadd.s32 $0xFFFFFFFF  }
0xb9: {  	_ =	strace $0x90000048  }
0xba: {  	_ =	sfence  }
0xbb: {  	s30 =	sld [smem:$0x0];
	_ =	sdelay $0x2  }
0xbc: {  	s31 =	sshll.u32 s1, $0xD;
	s1 =	sshrl.u32 s1, $0x2  }
0xbd: {  	s3 =	sand.u32 $0x4000, s31;
	s1 =	sadd.s32 s1, s30  }
0xbe: {  	s0 =	sor.u32 s3, s0;
	s1 =	sshll.u32 s1, $0x11  }
0xbf: {  	s0 =	sor.u32 s1, s0  }
0xc0: {  	s0 =	sadd.s32 $0x8F2B, s0  }
0xc1: {  	[sflag:s0] =	ssyncadd.remote.s32 $0x1  }
0xc2: {  	_ =	sfence.sel $0xFFFF  }
0xc3: {  	[dreg:$0x0] =	wrdreg $0xFFFFFFFF;
	(pc) =	sbr.abs _section_cstart, $3  }
0xc4: {  	[dreg:$0x1] =	wrdreg $0xFFFFFFFF  }
0xc5: {  	_ =	task.clear_ibuf [dreg:s9], $0x2FFFF;
	_ =	strace $0x9FFFFFFF  }
0xc6: {  	(tm) =	ssettm $0x7FFFFFFF  }
0xc7: {  	_ =	shalt  }
tec
execute0_lowered:
.L_overlay_start_1:
0x0: {  	(tag) =	ssettag $0x1  }
0x1: {  	s1 =	rddreg [dreg:$0x0]  }
0x2: {  	s2 =	rddreg [dreg:$0x1]  }
0x3: {  	s9 =	rddreg [dreg:$0x2]  }
0x4: {  	s5 =	rddreg [dreg:$0x3]  }
0x5: {  	s0 =	rddreg [dreg:$0x4];
	s6 =	srdreg.scid  }
0x6: {  	s3 =	stileid.u32;
	s4 =	simm.s32 $0x0;
	s13 =	simm.s32 $0x100  }
0x7: {  	s14 =	simm.s32 $0x2900;
	s15 =	simm.s32 $0x1;
	s7 =	smul.u32 $0x2760, s3  }
0x8: {  	s16 =	simm.s32 $0x2;
	s6 =	sand.u32 $0x1, s6;
	s10 =	smul.u32 $0x27600, s3  }
0x9: {  	s17 =	simm.s32 $0x0;
	[smem:$0x7FF] =	sst s4;
	s8 =	smul.u32 $0x13B0, s6  }
0xa: {  	_ =	strace $0x80000047;
	s11 =	ssub.s32 $0x2, s6;
	s6 =	smul.u32 $0x13B00, s6  }
0xb: {  	s29 =	sshrl.u32 s11, $0x1;
	s30 =	sadd.s32 s10, s5;
	s7 =	sadd.s32 s8, s7  }
0xc: {  	s10 =	simm.s32 $0x3;
	s8 =	ssub.s32 s11, s29;
	s12 =	sshrl.u32 s7, $0x3  }
0xd: {  	s11 =	simm.s32 $0x80;
	s7 =	sadd.s32 s6, s30;
	s31 =	sadd.s32 s12, s5  }
0xe: {  	s5 =	smax.u32 s8, $0x1;
	s6 =	sadd.s32 $0x8A00, s7;
	s7 =	sadd.s32 $0x27EA00, s7  }
0xf: {  	s9 =	sadd.s32 s12, s9;
	s12 =	simm.s32 $0x50;
	s8 =	sadd.s32 $0x3A00, s31  }
.LBB2_1:
0x10: {  	s18 =	sadd.s32 $0x0, s9  }
0x11: {  	[tilespmem:s4], [sflag:$0x3] =	stream.linear.gather [hbm4b:s18+s4], $0x50, $0x38;
	[tilespmem:$0x5100] =	vst v63  }
0x12: {  	_ =	swait.ge [sflag:s10], $0x50  }
0x13: {  	[sflag:s10] =	ssyncset.done $0x0  }
0x14: {  	s31 =	sadd.s32 $0x0, s8;
	[sflag:s10] =	ssyncadd.s32 $0xFFFFFFB0  }
0x15: {  	[tilespmem:s11], [sflag:$0x3] =	stream.linear.gather [hbm4b:s31+s4], $0x50, $0x38;
	[tilespmem:$0x5100] =	vst v63  }
0x16: {  	_ =	swait.ge [sflag:s10], $0x50  }
0x17: {  	[sflag:s10] =	ssyncset.done $0x0  }
0x18: {  	[sflag:s10] =	ssyncadd.s32 $0xFFFFFFB0  }
0x19: {  	[tilespmem:s13], [sflag:$0x1] =	stream.indirect.gather [hbm4b:s1+s12], $0x80, s4, s12, $0xb8;
	[tilespmem:$0x5100] =	vst v63  }
0x1a: {  	_ = 	snop  }
0x1b: {  	[tilespmem:s14], [sflag:$0x2] =	stream.indirect.gather [hbm4b:s2+s12], $0x80, s11, s12, $0xb8;
	[tilespmem:$0x5100] =	vst v63  }
0x1c: {  	_ =	swait.ge [sflag:s15], $0x2800  }
0x1d: {  	[sflag:s15] =	ssyncset.done $0x0  }
0x1e: {  	[sflag:s15] =	ssyncadd.s32 $0xFFFFD800  }
0x1f: {  	_ =	swait.ge [sflag:s16], $0x2800  }
0x20: {  	[sflag:s16] =	ssyncset.done $0x0  }
0x21: {  	[sflag:s16] =	ssyncadd.s32 $0xFFFFD800  }
0x22: {  	[hbm4b:s6+s4] =	stream.linear.scatter [tilespmem:s13], [sflag:$0x3], $0x2800, $0x38;
	[tilespmem:$0x5100] =	vst v63  }
0x23: {  	_ =	swait.ge [sflag:s10], $0x2800  }
0x24: {  	[sflag:s10] =	ssyncset.done $0x0  }
0x25: {  	[sflag:s10] =	ssyncadd.s32 $0xFFFFD800  }
0x26: {  	[hbm4b:s7+s4] =	stream.linear.scatter [tilespmem:s14], [sflag:$0x3], $0x2800, $0x38;
	[tilespmem:$0x5100] =	vst v63  }
0x27: {  	s20 =	simm.s32 $0xA;
	s21 =	simm.s32 $0x14;
	_ =	swait.ge [sflag:s10], $0x2800  }
0x28: {  	s19 =	sadd.s32 $0x500, s6;
	s18 =	sadd.s32 $0x500, s7;
	[sflag:s10] =	ssyncset.done $0x0  }
.LBB2_2:
0x29: {  	s22 =	sadd.s32 s20, s9  }
0x2a: {  	[sflag:s10] =	ssyncadd.s32 $0xFFFFD800;
	s23 =	smov.u32 s21;
	s24 =	sadd.s32 $0xA, s21  }
0x2b: {  	[tilespmem:s4], [sflag:$0x3] =	stream.linear.gather [hbm4b:s22+s4], $0x50, $0x38;
	[tilespmem:$0x5100] =	vst v63  }
0x2c: {  	p0 =	sne.s32 s21, $0x26C;
	_ =	swait.ge [sflag:s10], $0x50  }
0x2d: {  	[sflag:s10] =	ssyncset.done $0x0  }
0x2e: {  	s21 =	sadd.s32 s20, s8;
	s20 =	smov.u32 s23;
	[sflag:s10] =	ssyncadd.s32 $0xFFFFFFB0  }
0x2f: {  	[tilespmem:s11], [sflag:$0x3] =	stream.linear.gather [hbm4b:s21+s4], $0x50, $0x38;
	[tilespmem:$0x5100] =	vst v63  }
0x30: {  	_ =	swait.ge [sflag:s10], $0x50  }
0x31: {  	[sflag:s10] =	ssyncset.done $0x0  }
0x32: {  	[sflag:s10] =	ssyncadd.s32 $0xFFFFFFB0  }
0x33: {  	[tilespmem:s13], [sflag:$0x1] =	stream.indirect.gather [hbm4b:s1+s12], $0x80, s4, s12, $0xb8;
	[tilespmem:$0x5100] =	vst v63  }
0x34: {  	_ = 	snop  }
0x35: {  	[tilespmem:s14], [sflag:$0x2] =	stream.indirect.gather [hbm4b:s2+s12], $0x80, s11, s12, $0xb8;
	[tilespmem:$0x5100] =	vst v63  }
0x36: {  	_ =	swait.ge [sflag:s15], $0x2800  }
0x37: {  	[sflag:s15] =	ssyncset.done $0x0  }
0x38: {  	[sflag:s15] =	ssyncadd.s32 $0xFFFFD800  }
0x39: {  	_ =	swait.ge [sflag:s16], $0x2800  }
0x3a: {  	[sflag:s16] =	ssyncset.done $0x0  }
0x3b: {  	[sflag:s16] =	ssyncadd.s32 $0xFFFFD800  }
0x3c: {  	[hbm4b:s19+s4] =	stream.linear.scatter [tilespmem:s13], [sflag:$0x3], $0x2800, $0x38;
	[tilespmem:$0x5100] =	vst v63  }
0x3d: {  	_ =	swait.ge [sflag:s10], $0x2800  }
.Ltmp0:
0x3e: {  	[sflag:s10] =	ssyncset.done $0x0;
	(pc) =	sbr.rel @p0 .LBB2_2-.Ltmp0, $4  }
0x3f: {  	[sflag:s10] =	ssyncadd.s32 $0xFFFFD800  }
0x40: {  	[hbm4b:s18+s4] =	stream.linear.scatter [tilespmem:s14], [sflag:$0x3], $0x2800, $0x38;
	[tilespmem:$0x5100] =	vst v63  }
0x41: {  	s21 =	smov.u32 s24;
	_ =	swait.ge [sflag:s10], $0x2800  }
0x42: {  	s19 =	sadd.s32 $0x500, s19;
	s18 =	sadd.s32 $0x500, s18;
	[sflag:s10] =	ssyncset.done $0x0  }
0x43: {  	s21 =	sadd.s32 s20, s9;
	[sflag:s10] =	ssyncadd.s32 $0xFFFFD800  }
0x44: {  	[tilespmem:s4], [sflag:$0x3] =	stream.linear.gather [hbm4b:s21+s4], $0x50, $0x38;
	[tilespmem:$0x5100] =	vst v63  }
0x45: {  	_ =	swait.ge [sflag:s10], $0x50  }
0x46: {  	[sflag:s10] =	ssyncset.done $0x0  }
0x47: {  	s31 =	sadd.s32 s20, s8;
	[sflag:s10] =	ssyncadd.s32 $0xFFFFFFB0  }
0x48: {  	[tilespmem:s11], [sflag:$0x3] =	stream.linear.gather [hbm4b:s31+s4], $0x50, $0x38;
	[tilespmem:$0x5100] =	vst v63  }
0x49: {  	_ =	swait.ge [sflag:s10], $0x50  }
0x4a: {  	[sflag:s10] =	ssyncset.done $0x0  }
0x4b: {  	[sflag:s10] =	ssyncadd.s32 $0xFFFFFFB0  }
0x4c: {  	[tilespmem:s13], [sflag:$0x1] =	stream.indirect.gather [hbm4b:s1+s12], $0x80, s4, s12, $0xb8;
	[tilespmem:$0x5100] =	vst v63  }
0x4d: {  	_ = 	snop  }
0x4e: {  	[tilespmem:s14], [sflag:$0x2] =	stream.indirect.gather [hbm4b:s2+s12], $0x80, s11, s12, $0xb8;
	[tilespmem:$0x5100] =	vst v63  }
0x4f: {  	_ =	swait.ge [sflag:s15], $0x2800  }
0x50: {  	[sflag:s15] =	ssyncset.done $0x0  }
0x51: {  	[sflag:s15] =	ssyncadd.s32 $0xFFFFD800  }
0x52: {  	_ =	swait.ge [sflag:s16], $0x2800  }
0x53: {  	[sflag:s16] =	ssyncset.done $0x0  }
0x54: {  	[sflag:s16] =	ssyncadd.s32 $0xFFFFD800  }
0x55: {  	[hbm4b:s19+s4] =	stream.linear.scatter [tilespmem:s13], [sflag:$0x3], $0x2800, $0x38;
	[tilespmem:$0x5100] =	vst v63  }
0x56: {  	s17 =	sadd.s32 $0x1, s17;
	_ =	swait.ge [sflag:s10], $0x2800  }
0x57: {  	p0 =	sne.s32 s17, s5;
	[sflag:s10] =	ssyncset.done $0x0  }
.Ltmp1:
0x58: {  	[sflag:s10] =	ssyncadd.s32 $0xFFFFD800;
	(pc) =	sbr.rel @p0 .LBB2_1-.Ltmp1, $4  }
0x59: {  	[hbm4b:s18+s4] =	stream.linear.scatter [tilespmem:s14], [sflag:$0x3], $0x2800, $0x38;
	[tilespmem:$0x5100] =	vst v63  }
0x5a: {  	_ =	swait.ge [sflag:s10], $0x2800  }
0x5b: {  	[sflag:s10] =	ssyncset.done $0x0  }
0x5c: {  	[sflag:s10] =	ssyncadd.s32 $0xFFFFD800  }
0x5d: {  	_ =	sfence.sel $0x180000  }
0x5e: {  	[bflag:$0x0] =	sbarrier.arrive $0xFFFF  }
0x5f: {  	p0 =	sne.s32 s3, $0x0;
	_ =	strace $0x90000047  }
0x60: {  	s0 =	sadd.s32 @!p0 $0x100000, s0;
	[bflag:$0x2] =	sbarrier.arrive $0xFFFF  }
0x61: {  	[sflag:s0] =	ssyncadd.tile.s32 @!p0 $0x1;
	_ =	shalt  }
.Lfunc_end2:
_tile_overlayer_lowered:
.L_overlay_start_2:
0x62: {  	(tag) =	ssettag $0x2  }
0x63: {  	s0 =	rddreg [dreg:$0x0];
	s2 =	stileid.u32  }
0x64: {  	s1 =	rddreg [dreg:$0x1];
	p0 =	sne.s32 s2, $0x0  }
0x65: {  	s3 =	rddreg [dreg:$0x2];
	[bflag:$0x3] =	sbarrier.arrive $0xFFFF;
	s2 =	simm.s32 @!p0 $0x1C03  }
0x66: {  	[timem:s3], [sflag:s2] =	dma.local @!p0 [hbm:s0], s1  }
0x67: {  	s0 =	simm.s32 @!p0 $0x3  }
0x68: {  	_ =	swait.ge @!p0 [sflag:s0], s1  }
0x69: {  	s1 =	ssub.s32 @!p0 $0x0, s1;
	[sflag:s0] =	ssyncset.done @!p0 $0x0  }
0x6a: {  	[sflag:s0] =	ssyncadd.s32 @!p0 s1  }
0x6b: {  	[bflag:$0x3] =	sbarrier.arrive $0xFFFF  }
0x6c: {  	_ =	shalt  }

// kernel: kernel.18.cloned.1.call-start
scs
__scs_entry_jumppad:
0x0: {  	(pc) =	sbr.rel $0x88, $3  }
0x1: {  	(tag) =	ssettag $0x0;
	lr =	simm.s32 $0x1  }
0x2: {  	[smem:$0x3F92] =	sst lr;
	_ =	strace $0xD0000000  }
0x3: {  	_ = 	snop  }
0x4: {  	_ = 	snop  }
0x5: {  	_ = 	snop  }
0x6: {  	_ = 	snop  }
0x7: {  	_ = 	snop  }
__scs_overlays_trampoline_lowered:
0x8: {  	[smem:$0x3FA1] =	sst s0  }
0x9: {  	[smem:$0x3FA2] =	sst s1  }
0xa: {  	[smem:$0x3FA3] =	sst s2  }
0xb: {  	[smem:$0x3FA4] =	sst s3  }
0xc: {  	[smem:$0x3FA5] =	sst s4  }
0xd: {  	[smem:$0x3FA6] =	sst s5  }
0xe: {  	[smem:$0x3FA7] =	sst s6  }
0xf: {  	[smem:$0x3FA8] =	sst s7  }
0x10: {  	[smem:$0x3FA9] =	sst s8  }
0x11: {  	[smem:$0x3FAA] =	sst s9;
	s0 =	simm.s32 @!p0 $0x0  }
0x12: {  	s1 =	sld [smem:$0x3F90];
	s0 =	simm.s32 @p0 $0x1  }
0x13: {  	[smem:$0x3FAB] =	sst s0;
	s0 =	simm.s32 @!p1 $0x0  }
0x14: {  	s2 =	sld [smem:$0x3F8F];
	s0 =	simm.s32 @p1 $0x1  }
0x15: {  	[smem:$0x3FAC] =	sst s0;
	s0 =	simm.s32 @!p2 $0x0  }
0x16: {  	s3 =	sld [smem:$0x3FDB];
	s0 =	simm.s32 @p2 $0x1  }
0x17: {  	s4 =	simm.s32 $0x1BF5;
	[smem:$0x3FAE] =	sst s0  }
0x18: {  	s0 =	sld [smem:$0x3F91];
	_ =	swait.ge [sflag:s4], $0x0  }
0x19: {  	s7 =	sld [smem:$0x3F92]  }
0x1a: {  	s8 =	sadd.s32 $0xFFFFE003, lr  }
0x1b: {  	s9 =	sadd.s32 $0xFFFFFEF7, lr;
	s5 =	simm.s32 $0xFFFFFFFF;
	p2 =	slt.u32 s8, $0xFFFFF086  }
0x1c: {  	p1 =	slt.u32 s9, $0xF7A;
	s5 =	simm.s32 @!p2 $0x0  }
0x1d: {  	s5 =	simm.s32 @p1 $0x1;
	p0 =	seq.s32 s7, s2  }
0x1e: {  	s7 =	smul.u32 @!p0 $0xF7A, s2;
	p2 =	seq.s32 @!p0 s5, $0x0  }
0x1f: {  	s9 =	smul.u32 $0xF7A, s1;
	s8 =	simm.s32 @!p0 $0x1BF5;
	p2 =	por !p2, p0  }
0x20: {  	[sflag:s8] =	ssyncset.s32 @!p0 $0xFFFFF086;
	s6 =	sadd.s32 @!p0 s3, s7;
	s7 =	simm.s32 @!p0 $0x108  }
0x21: {  	s3 =	sadd.s32 s3, s9;
	s6 =	sadd.s32 @!p0 $0x88, s6;
	s7 =	simm.s32 @p2 $0x1082  }
0x22: {  	[simem:s7], [sflag:s8] =	dma.local @!p0 [hbm:s6], $0xF7A  }
0x23: {  	s9 =	sor.u32 $0xD0000000, s2;
	s6 =	simm.s32 $0x108;
	_ =	swait.ge @!p0 [sflag:s8], $0x0  }
0x24: {  	s3 =	sadd.s32 $0x88, s3;
	s6 =	simm.s32 @!p1 $0x1082;
	[sflag:s4] =	ssyncset.s32 $0xFFFFF086  }
0x25: {  	[simem:s6], [sflag:s4] =	dma.local [hbm:s3], $0xF7A  }
0x26: {  	[smem:$0x3F92] =	sst s1;
	(tag) =	ssettag s2;
	_ =	strace s9  }
0x27: {  	s1 =	sld [smem:$0x3FA2]  }
0x28: {  	s2 =	sld [smem:$0x3FA3]  }
0x29: {  	s4 =	sld [smem:$0x3FA5]  }
0x2a: {  	p0 =	seq.s32 s5, $0x0;
	s5 =	sld [smem:$0x3FA6]  }
0x2b: {  	s6 =	sld [smem:$0x3FA7]  }
0x2c: {  	s7 =	sld [smem:$0x3FA8]  }
0x2d: {  	s3 =	simm.s32 $0x108;
	s8 =	sld [smem:$0x3FA9]  }
0x2e: {  	s3 =	simm.s32 @!p0 $0x1082;
	s9 =	sld [smem:$0x3FAA]  }
0x2f: {  	lr =	sadd.s32 s0, s3;
	s0 =	sld [smem:$0x3FA1]  }
0x30: {  	s3 =	sld [smem:$0x3FA4]  }
0x31: {  	[smem:$0x3FAD] =	sst s10  }
0x32: {  	s10 =	sld [smem:$0x3FAB];
	_ =	sdelay $0x3  }
0x33: {  	p0 =	seq.s32 s10, $0x1;
	s10 =	sld [smem:$0x3FAD];
	_ =	sdelay $0x3  }
0x34: {  	[smem:$0x3FAD] =	sst s10  }
0x35: {  	s10 =	sld [smem:$0x3FAC];
	_ =	sdelay $0x3  }
0x36: {  	p1 =	seq.s32 s10, $0x1;
	s10 =	sld [smem:$0x3FAD];
	_ =	sdelay $0x3  }
0x37: {  	[smem:$0x3FAD] =	sst s10  }
0x38: {  	s10 =	sld [smem:$0x3FAE]  }
0x39: {  	_ = 	snop;
	(pc) =	sbr.ind lr, $3  }
0x3a: {  	_ = 	snop  }
0x3b: {  	_ = 	snop  }
0x3c: {  	p2 =	seq.s32 s10, $0x1;
	s10 =	sld [smem:$0x3FAD]  }
0x3d: {  	_ =	shalt  }
0x3e: {  	_ =	shalt  }
0x3f: {  	_ =	shalt  }
0x40: {  	_ =	shalt  }
0x41: {  	_ =	shalt  }
0x42: {  	_ =	shalt  }
0x43: {  	_ =	shalt  }
0x44: {  	_ =	shalt  }
0x45: {  	_ =	shalt  }
0x46: {  	_ =	shalt  }
0x47: {  	_ =	shalt  }
0x48: {  	_ =	shalt  }
0x49: {  	_ =	shalt  }
0x4a: {  	_ =	shalt  }
0x4b: {  	_ =	shalt  }
0x4c: {  	_ =	shalt  }
0x4d: {  	_ =	shalt  }
0x4e: {  	_ =	shalt  }
0x4f: {  	_ =	shalt  }
0x50: {  	_ =	shalt  }
0x51: {  	_ =	shalt  }
0x52: {  	_ =	shalt  }
0x53: {  	_ =	shalt  }
0x54: {  	_ =	shalt  }
0x55: {  	_ =	shalt  }
0x56: {  	_ =	shalt  }
0x57: {  	_ =	shalt  }
0x58: {  	_ =	shalt  }
0x59: {  	_ =	shalt  }
0x5a: {  	_ =	shalt  }
0x5b: {  	_ =	shalt  }
0x5c: {  	_ =	shalt  }
0x5d: {  	_ =	shalt  }
0x5e: {  	_ =	shalt  }
0x5f: {  	_ =	shalt  }
0x60: {  	_ =	shalt  }
0x61: {  	_ =	shalt  }
0x62: {  	_ =	shalt  }
0x63: {  	_ =	shalt  }
0x64: {  	_ =	shalt  }
0x65: {  	_ =	shalt  }
0x66: {  	_ =	shalt  }
0x67: {  	_ =	shalt  }
0x68: {  	_ =	shalt  }
0x69: {  	_ =	shalt  }
0x6a: {  	_ =	shalt  }
0x6b: {  	_ =	shalt  }
0x6c: {  	_ =	shalt  }
0x6d: {  	_ =	shalt  }
0x6e: {  	_ =	shalt  }
0x6f: {  	_ =	shalt  }
0x70: {  	_ =	shalt  }
0x71: {  	_ =	shalt  }
0x72: {  	_ =	shalt  }
0x73: {  	_ =	shalt  }
0x74: {  	_ =	shalt  }
0x75: {  	_ =	shalt  }
0x76: {  	_ =	shalt  }
0x77: {  	_ =	shalt  }
0x78: {  	_ =	shalt  }
0x79: {  	_ =	shalt  }
0x7a: {  	_ =	shalt  }
0x7b: {  	_ =	shalt  }
0x7c: {  	_ =	shalt  }
0x7d: {  	_ =	shalt  }
0x7e: {  	_ =	shalt  }
0x7f: {  	_ =	shalt  }
0x80: {  	_ =	shalt  }
0x81: {  	_ =	shalt  }
0x82: {  	_ =	shalt  }
0x83: {  	_ =	shalt  }
0x84: {  	_ =	shalt  }
0x85: {  	_ =	shalt  }
0x86: {  	_ =	shalt  }
0x87: {  	_ =	shalt  }
.Lfunc_end0:
.L_simem_size_0:
called_computation.3_lowered:
.L_overlay_start_0:
0x88: {  	s2 =	sld [smem:$0x3FD9]  }
0x89: {  	s3 =	sld [smem:$0x3FFE];
	_ =	sdelay $0x1  }
0x8a: {  	s1 =	srdreg.scid  }
0x8b: {  	s0 =	sand.u32 $0x1, s1  }
0x8c: {  	s17 =	sshll.u32 s0, $0xA;
	s2 =	sadd.s32 s3, s2  }
0x8d: {  	s2 =	sadd.s32 s2, s17  }
0x8e: {  	[smem:$0x3FB9] =	sst s2  }
0x8f: {  	_ = 	snop  }
0x90: {  	(tm) =	ssettm $0x1  }
0x91: {  	s18 =	sld [smem:$0x3FFB];
	_ =	sdelay $0x3  }
0x92: {  	_ =	strace s18  }
0x93: {  	s2 =	sld [smem:$0x3FFC];
	_ =	sdelay $0x3  }
0x94: {  	_ =	strace s2  }
0x95: {  	s2 =	sld [smem:$0x3FFD];
	_ =	sdelay $0x3  }
0x96: {  	_ =	strace s2  }
0x97: {  	_ =	strace $0x8FFFFFFF  }
0x98: {  	s19 =	sld [smem:$0x3FDB];
	_ =	sdelay $0x1  }
0x99: {  	s20 =	simm.s32 $_scs_section_size  }
0x9a: {  	s4 =	simm.s32 $_size__tile_overlayer_lowered;
	s5 =	simm.s32 $_tile_overlayer_lowered  }
0x9b: {  	s6 =	simm.s32 $0x1BFF;
	s21 =	sshll.u32 s5, $0x1;
	s3 =	sadd.s32 s20, s19  }
0x9c: {  	s22 =	simm.s32 $0x0;
	s4 =	sshll.u32 s4, $0x1;
	s5 =	sadd.s32 s21, s3  }
0x9d: {  	[timem:s22], [sflag:s6] =	dma.local [hbm:s5], s4  }
0x9e: {  	_ =	swait.ge [sflag:s6], s4  }
0x9f: {  	s4 =	ssub.s32 $0x0, s4;
	[sflag:s6] =	ssyncset.done $0x0  }
0xa0: {  	[sflag:s6] =	ssyncadd.s32 s4;
	_ =	sdelay $0x1  }
0xa1: {  	s23 =	simm.s32 $0x1B8B  }
0xa2: {  	_ =	swait.ge [sflag:s23], $0x1  }
0xa3: {  	[sflag:s23] =	ssyncset.done $0x0  }
0xa4: {  	[sflag:s23] =	ssyncadd.s32 $0xFFFFFFFF  }
0xa5: {  	s4 =	sld [smem:$0x0]  }
0xa6: {  	s5 =	sand.u32 $0xFFFFFFFE, s1  }
0xa7: {  	p0 =	sne.s32 s1, s5  }
0xa8: {  	s5 =	sshll.u32 @p0 s5, $0xE  }
0xa9: {  	s5 =	sadd.s32 @p0 $0x11B8D, s5;
	s6 =	sshll.u32 @p0 s4, $0x11  }
0xaa: {  	s5 =	sor.u32 @p0 s6, s5  }
0xab: {  	[sflag:s5] =	ssyncadd.remote.s32 @p0 $0x1;
	_ =	sdelay $0x1  }
0xac: {  	s5 =	simm.s32 @p0 $0x1B8D  }
0xad: {  	_ =	swait.eq @p0 [sflag:s5], $0x1  }
0xae: {  	[sflag:s5] =	ssyncadd.s32 @p0 $0xFFFFFFFF  }
0xaf: {  	s6 =	sshll.u32 @!p0 s1, $0xE  }
0xb0: {  	s6 =	sor.u32 @!p0 $0x4000, s6;
	s5 =	simm.s32 @!p0 $0x1B8D  }
0xb1: {  	s4 =	sshll.u32 @!p0 s4, $0x11;
	s6 =	sadd.s32 @!p0 $0x11B8D, s6;
	_ =	swait.eq @!p0 [sflag:s5], $0x1  }
0xb2: {  	s4 =	sor.u32 @!p0 s4, s6;
	[sflag:s5] =	ssyncadd.s32 @!p0 $0xFFFFFFFF  }
0xb3: {  	s25 =	simm.s32 $0x1B8E;
	s24 =	sld [smem:$0x3FFE];
	[sflag:s4] =	ssyncadd.remote.s32 @!p0 $0x1  }
0xb4: {  	s26 =	simm.s32 $execute0_lowered;
	[smem:$0x3FD2] =	sst s25  }
0xb5: {  	s5 =	sshll.u32 s26, $0x1;
	_ =	strace $0x8000004C;
	[dreg:$0x1] =	wrdreg $0xFFFFFFFF  }
0xb6: {  	s28 =	simm.s32 $_size_execute0_lowered;
	s3 =	sadd.s32 s3, s5;
	[dreg:$0x0] =	wrdreg $0x0  }
0xb7: {  	s5 =	sshll.u32 s28, $0x1;
	[dreg:$0x2] =	wrdreg s3  }
0xb8: {  	[dreg:$0x3] =	wrdreg s5  }
0xb9: {  	[dreg:$0x4] =	wrdreg $0xC0  }
0xba: {  	_ =	task [dreg:s22], $0x5FFFF  }
0xbb: {  	[dreg:$0x1] =	wrdreg $0xFFFFFFFF  }
0xbc: {  	[dreg:$0x0] =	wrdreg $0x60  }
0xbd: {  	[dreg:$0x2] =	wrdreg s24  }
0xbe: {  	[dreg:$0x3] =	wrdreg $0x28800  }
0xbf: {  	[dreg:$0x4] =	wrdreg $0xA  }
0xc0: {  	_ =	task.clear_ibuf [dreg:s22], $0x5FFFF;
	_ =	strace $0x9000004C  }
0xc1: {  	s29 =	simm.s32 $0xA;
	_ =	strace $0x8000004E  }
0xc2: {  	_ =	swait.ge [sflag:s29], $0x1  }
0xc3: {  	[sflag:s29] =	ssyncadd.s32 $0xFFFFFFFF  }
0xc4: {  	_ =	strace $0x9000004E  }
0xc5: {  	_ =	sfence  }
0xc6: {  	s30 =	sld [smem:$0x0];
	_ =	sdelay $0x2  }
0xc7: {  	s31 =	sshll.u32 s1, $0xD;
	s1 =	sshrl.u32 s1, $0x2  }
0xc8: {  	s4 =	sand.u32 $0x4000, s31;
	s1 =	sadd.s32 s1, s30  }
0xc9: {  	s0 =	sor.u32 s4, s0;
	s1 =	sshll.u32 s1, $0x11  }
0xca: {  	s0 =	sor.u32 s1, s0  }
0xcb: {  	s0 =	sadd.s32 $0x8F2B, s0  }
0xcc: {  	[sflag:s0] =	ssyncadd.remote.s32 $0x1  }
0xcd: {  	_ =	sfence.sel $0xFFFF  }
0xce: {  	[dreg:$0x0] =	wrdreg $0xFFFFFFFF;
	(pc) =	sbr.abs _section_cstart, $3  }
0xcf: {  	[dreg:$0x1] =	wrdreg $0xFFFFFFFF  }
0xd0: {  	_ =	task.clear_ibuf [dreg:s22], $0x2FFFF;
	_ =	strace $0x9FFFFFFF  }
0xd1: {  	(tm) =	ssettm $0x7FFFFFFF  }
tec
execute0_lowered:
.L_overlay_start_1:
0x0: {  	(tag) =	ssettag $0x1  }
0x1: {  	s0 =	stileid.u32  }
0x2: {  	s4 =	rddreg [dreg:$0x0];
	s6 =	smul.u32 $0x2760, s0  }
0x3: {  	s1 =	srdreg.scid;
	s8 =	smul.u32 $0x27600, s0  }
0x4: {  	s2 =	rddreg [dreg:$0x1];
	s3 =	simm.s32 $0x0;
	s13 =	smul.u32 $0x2800, s0  }
0x5: {  	s5 =	sand.u32 $0x1, s1;
	s1 =	rddreg [dreg:$0x2];
	s10 =	smul.u32 $0x50000, s0  }
0x6: {  	[smem:$0x7FF] =	sst s3;
	s31 =	sshll.u32 s0, $0x6;
	s7 =	smul.u32 $0x13B0, s5  }
0x7: {  	_ =	strace $0x8000004D;
	s25 =	smul.u32 $0x28000, s5;
	s26 =	ssub.s32 $0x2, s5  }
0x8: {  	s30 =	smul.u32 $0x13B00, s5;
	s5 =	sor.u32 $0x1C01, s31;
	s24 =	sadd.s32 s8, s4  }
0x9: {  	s11 =	sadd.s32 s13, s4;
	s28 =	sshrl.u32 s26, $0x1;
	s29 =	sshrl.u32 s10, $0x2  }
0xa: {  	s10 =	simm.s32 $0x1;
	s6 =	sadd.s32 s7, s6;
	s8 =	sadd.s32 s25, s4  }
0xb: {  	s12 =	sadd.s32 s29, s2;
	s7 =	sadd.s32 s30, s24;
	s6 =	sshrl.u32 s6, $0x3  }
0xc: {  	s14 =	sadd.s32 $0x30A00, s8;
	s7 =	sadd.s32 $0x9D6800, s7;
	s9 =	sadd.s32 s6, s4  }
0xd: {  	s6 =	ssub.s32 s26, s28;
	s4 =	sadd.s32 $0x8A00, s11;
	s11 =	simm.s32 $0x80  }
0xe: {  	s13 =	sadd.s32 s13, s14;
	s14 =	simm.s32 $0x0;
	s6 =	smax.u32 s6, $0x1  }
0xf: {  	s8 =	sadd.s32 $0x3A00, s9;
	s9 =	sshrl.u32 s12, $0x3;
	s12 =	simm.s32 $0x50  }
.LBB2_1:
0x10: {  	[spmem:s9], [sflag:s5] =	dma.local [hbm:s4], $0x2800  }
0x11: {  	_ =	swait.ge [sflag:s10], $0x2800  }
0x12: {  	[sflag:s10] =	ssyncset.done $0x0  }
0x13: {  	[sflag:s10] =	ssyncadd.s32 $0xFFFFD800  }
0x14: {  	s15 =	sadd.s32 $0x0, s8;
	[bflag:$0x0] =	sbarrier.arrive $0xFFFF  }
0x15: {  	[tilespmem:s3], [sflag:$0x1] =	stream.linear.gather [hbm4b:s15+s3], $0x50, $0x38;
	[tilespmem:$0x16880] =	vst v63  }
0x16: {  	_ =	swait.ge [sflag:s10], $0x50  }
0x17: {  	[sflag:s10] =	ssyncset.done $0x0  }
0x18: {  	[sflag:s10] =	ssyncadd.s32 $0xFFFFFFB0  }
0x19: {  	[tilespmem:s11], [sflag:$0x1] =	stream.linear.gather [hbm4b:s7+s3], $0x2800, $0x38;
	[tilespmem:$0x16880] =	vst v63  }
0x1a: {  	_ =	swait.ge [sflag:s10], $0x2800  }
0x1b: {  	[sflag:s10] =	ssyncset.done $0x0  }
0x1c: {  	[sflag:s10] =	ssyncadd.s32 $0xFFFFD800  }
0x1d: {  	[spmem:s2] =	stream.indirect.scatter.add.f32 [tilespmem:s11], [sflag:$0x1], $0x80, s3, s12, $0xb8;
	[tilespmem:$0x16880] =	vst v63  }
0x1e: {  	s16 =	simm.s32 $0xA;
	_ =	swait.ge [sflag:s10], $0x2800  }
0x1f: {  	s17 =	simm.s32 $0x14;
	s15 =	sadd.s32 $0x500, s7;
	[sflag:s10] =	ssyncset.done $0x0  }
.LBB2_2:
0x20: {  	s18 =	sadd.s32 s16, s8  }
0x21: {  	[sflag:s10] =	ssyncadd.s32 $0xFFFFD800;
	s16 =	smov.u32 s17;
	s19 =	sadd.s32 $0xA, s17  }
0x22: {  	[tilespmem:s3], [sflag:$0x1] =	stream.linear.gather [hbm4b:s18+s3], $0x50, $0x38;
	[tilespmem:$0x16880] =	vst v63  }
0x23: {  	p0 =	sne.s32 s17, $0x26C;
	_ =	swait.ge [sflag:s10], $0x50  }
0x24: {  	[sflag:s10] =	ssyncset.done $0x0  }
0x25: {  	[sflag:s10] =	ssyncadd.s32 $0xFFFFFFB0  }
0x26: {  	[tilespmem:s11], [sflag:$0x1] =	stream.linear.gather [hbm4b:s15+s3], $0x2800, $0x38;
	[tilespmem:$0x16880] =	vst v63  }
0x27: {  	_ =	swait.ge [sflag:s10], $0x2800  }
.Ltmp0:
0x28: {  	[sflag:s10] =	ssyncset.done $0x0;
	(pc) =	sbr.rel @p0 .LBB2_2-.Ltmp0, $4  }
0x29: {  	[sflag:s10] =	ssyncadd.s32 $0xFFFFD800  }
0x2a: {  	[spmem:s2] =	stream.indirect.scatter.add.f32 [tilespmem:s11], [sflag:$0x1], $0x80, s3, s12, $0xb8;
	[tilespmem:$0x16880] =	vst v63  }
0x2b: {  	_ =	swait.ge [sflag:s10], $0x2800  }
0x2c: {  	s17 =	smov.u32 s19;
	s15 =	sadd.s32 $0x500, s15;
	[sflag:s10] =	ssyncset.done $0x0  }
0x2d: {  	s16 =	sadd.s32 s16, s8;
	[sflag:s10] =	ssyncadd.s32 $0xFFFFD800  }
0x2e: {  	[tilespmem:s3], [sflag:$0x1] =	stream.linear.gather [hbm4b:s16+s3], $0x50, $0x38;
	[tilespmem:$0x16880] =	vst v63  }
0x2f: {  	_ =	swait.ge [sflag:s10], $0x50  }
0x30: {  	[sflag:s10] =	ssyncset.done $0x0  }
0x31: {  	[sflag:s10] =	ssyncadd.s32 $0xFFFFFFB0  }
0x32: {  	[tilespmem:s11], [sflag:$0x1] =	stream.linear.gather [hbm4b:s15+s3], $0x2800, $0x38;
	[tilespmem:$0x16880] =	vst v63  }
0x33: {  	_ =	swait.ge [sflag:s10], $0x2800  }
0x34: {  	[sflag:s10] =	ssyncset.done $0x0  }
0x35: {  	[sflag:s10] =	ssyncadd.s32 $0xFFFFD800  }
0x36: {  	[spmem:s2] =	stream.indirect.scatter.add.f32 [tilespmem:s11], [sflag:$0x1], $0x80, s3, s12, $0xb8;
	[tilespmem:$0x16880] =	vst v63  }
0x37: {  	_ =	swait.ge [sflag:s10], $0x2800  }
0x38: {  	s14 =	sadd.s32 $0x1, s14;
	[sflag:s10] =	ssyncset.done $0x0  }
0x39: {  	p0 =	sne.s32 s14, s6;
	[sflag:s10] =	ssyncadd.s32 $0xFFFFD800  }
.Ltmp1:
0x3a: {  	[bflag:$0x0] =	sbarrier.arrive $0xFFFF;
	(pc) =	sbr.rel @p0 .LBB2_1-.Ltmp1, $4  }
0x3b: {  	[hbm:s13], [sflag:s5] =	dma.local [spmem:s9], $0x2800  }
0x3c: {  	_ =	swait.ge [sflag:s10], $0x2800  }
0x3d: {  	[sflag:s10] =	ssyncset.done $0x0  }
0x3e: {  	[sflag:s10] =	ssyncadd.s32 $0xFFFFD800  }
0x3f: {  	_ =	sfence.sel $0x180000  }
0x40: {  	[bflag:$0x0] =	sbarrier.arrive $0xFFFF  }
0x41: {  	p0 =	sne.s32 s0, $0x0;
	_ =	strace $0x9000004D  }
0x42: {  	s0 =	sadd.s32 @!p0 $0x100000, s1;
	[bflag:$0x2] =	sbarrier.arrive $0xFFFF  }
0x43: {  	[sflag:s0] =	ssyncadd.tile.s32 @!p0 $0x1;
	_ =	shalt  }
.Lfunc_end2:
_tile_overlayer_lowered:
.L_overlay_start_2:
0x44: {  	(tag) =	ssettag $0x2  }
0x45: {  	s0 =	rddreg [dreg:$0x0];
	s2 =	stileid.u32  }
0x46: {  	s1 =	rddreg [dreg:$0x1];
	p0 =	sne.s32 s2, $0x0  }
0x47: {  	s3 =	rddreg [dreg:$0x2];
	[bflag:$0x3] =	sbarrier.arrive $0xFFFF;
	s2 =	simm.s32 @!p0 $0x1C01  }
0x48: {  	[timem:s3], [sflag:s2] =	dma.local @!p0 [hbm:s0], s1  }
0x49: {  	s0 =	simm.s32 @!p0 $0x1  }
0x4a: {  	_ =	swait.ge @!p0 [sflag:s0], s1  }
0x4b: {  	s1 =	ssub.s32 @!p0 $0x0, s1;
	[sflag:s0] =	ssyncset.done @!p0 $0x0  }
0x4c: {  	[sflag:s0] =	ssyncadd.s32 @!p0 s1  }
0x4d: {  	[bflag:$0x3] =	sbarrier.arrive $0xFFFF  }
0x4e: {  	_ =	shalt  }

// kernel: kernel.9.cloned.1.call-start
scs
__scs_entry_jumppad:
0x0: {  	(pc) =	sbr.rel $0x88, $3  }
0x1: {  	(tag) =	ssettag $0x0;
	lr =	simm.s32 $0x1  }
0x2: {  	[smem:$0x3F92] =	sst lr;
	_ =	strace $0xD0000000  }
0x3: {  	_ = 	snop  }
0x4: {  	_ = 	snop  }
0x5: {  	_ = 	snop  }
0x6: {  	_ = 	snop  }
0x7: {  	_ = 	snop  }
__scs_overlays_trampoline_lowered:
0x8: {  	[smem:$0x3FA1] =	sst s0  }
0x9: {  	[smem:$0x3FA2] =	sst s1  }
0xa: {  	[smem:$0x3FA3] =	sst s2  }
0xb: {  	[smem:$0x3FA4] =	sst s3  }
0xc: {  	[smem:$0x3FA5] =	sst s4  }
0xd: {  	[smem:$0x3FA6] =	sst s5  }
0xe: {  	[smem:$0x3FA7] =	sst s6  }
0xf: {  	[smem:$0x3FA8] =	sst s7  }
0x10: {  	[smem:$0x3FA9] =	sst s8  }
0x11: {  	[smem:$0x3FAA] =	sst s9;
	s0 =	simm.s32 @!p0 $0x0  }
0x12: {  	s1 =	sld [smem:$0x3F90];
	s0 =	simm.s32 @p0 $0x1  }
0x13: {  	[smem:$0x3FAB] =	sst s0;
	s0 =	simm.s32 @!p1 $0x0  }
0x14: {  	s2 =	sld [smem:$0x3F8F];
	s0 =	simm.s32 @p1 $0x1  }
0x15: {  	[smem:$0x3FAC] =	sst s0;
	s0 =	simm.s32 @!p2 $0x0  }
0x16: {  	s3 =	sld [smem:$0x3FDB];
	s0 =	simm.s32 @p2 $0x1  }
0x17: {  	s4 =	simm.s32 $0x1BF5;
	[smem:$0x3FAE] =	sst s0  }
0x18: {  	s0 =	sld [smem:$0x3F91];
	_ =	swait.ge [sflag:s4], $0x0  }
0x19: {  	s7 =	sld [smem:$0x3F92]  }
0x1a: {  	s8 =	sadd.s32 $0xFFFFE003, lr  }
0x1b: {  	s9 =	sadd.s32 $0xFFFFFEF7, lr;
	s5 =	simm.s32 $0xFFFFFFFF;
	p2 =	slt.u32 s8, $0xFFFFF086  }
0x1c: {  	p1 =	slt.u32 s9, $0xF7A;
	s5 =	simm.s32 @!p2 $0x0  }
0x1d: {  	s5 =	simm.s32 @p1 $0x1;
	p0 =	seq.s32 s7, s2  }
0x1e: {  	s7 =	smul.u32 @!p0 $0xF7A, s2;
	p2 =	seq.s32 @!p0 s5, $0x0  }
0x1f: {  	s9 =	smul.u32 $0xF7A, s1;
	s8 =	simm.s32 @!p0 $0x1BF5;
	p2 =	por !p2, p0  }
0x20: {  	[sflag:s8] =	ssyncset.s32 @!p0 $0xFFFFF086;
	s6 =	sadd.s32 @!p0 s3, s7;
	s7 =	simm.s32 @!p0 $0x108  }
0x21: {  	s3 =	sadd.s32 s3, s9;
	s6 =	sadd.s32 @!p0 $0x88, s6;
	s7 =	simm.s32 @p2 $0x1082  }
0x22: {  	[simem:s7], [sflag:s8] =	dma.local @!p0 [hbm:s6], $0xF7A  }
0x23: {  	s9 =	sor.u32 $0xD0000000, s2;
	s6 =	simm.s32 $0x108;
	_ =	swait.ge @!p0 [sflag:s8], $0x0  }
0x24: {  	s3 =	sadd.s32 $0x88, s3;
	s6 =	simm.s32 @!p1 $0x1082;
	[sflag:s4] =	ssyncset.s32 $0xFFFFF086  }
0x25: {  	[simem:s6], [sflag:s4] =	dma.local [hbm:s3], $0xF7A  }
0x26: {  	[smem:$0x3F92] =	sst s1;
	(tag) =	ssettag s2;
	_ =	strace s9  }
0x27: {  	s1 =	sld [smem:$0x3FA2]  }
0x28: {  	s2 =	sld [smem:$0x3FA3]  }
0x29: {  	s4 =	sld [smem:$0x3FA5]  }
0x2a: {  	p0 =	seq.s32 s5, $0x0;
	s5 =	sld [smem:$0x3FA6]  }
0x2b: {  	s6 =	sld [smem:$0x3FA7]  }
0x2c: {  	s7 =	sld [smem:$0x3FA8]  }
0x2d: {  	s3 =	simm.s32 $0x108;
	s8 =	sld [smem:$0x3FA9]  }
0x2e: {  	s3 =	simm.s32 @!p0 $0x1082;
	s9 =	sld [smem:$0x3FAA]  }
0x2f: {  	lr =	sadd.s32 s0, s3;
	s0 =	sld [smem:$0x3FA1]  }
0x30: {  	s3 =	sld [smem:$0x3FA4]  }
0x31: {  	[smem:$0x3FAD] =	sst s10  }
0x32: {  	s10 =	sld [smem:$0x3FAB];
	_ =	sdelay $0x3  }
0x33: {  	p0 =	seq.s32 s10, $0x1;
	s10 =	sld [smem:$0x3FAD];
	_ =	sdelay $0x3  }
0x34: {  	[smem:$0x3FAD] =	sst s10  }
0x35: {  	s10 =	sld [smem:$0x3FAC];
	_ =	sdelay $0x3  }
0x36: {  	p1 =	seq.s32 s10, $0x1;
	s10 =	sld [smem:$0x3FAD];
	_ =	sdelay $0x3  }
0x37: {  	[smem:$0x3FAD] =	sst s10  }
0x38: {  	s10 =	sld [smem:$0x3FAE]  }
0x39: {  	_ = 	snop;
	(pc) =	sbr.ind lr, $3  }
0x3a: {  	_ = 	snop  }
0x3b: {  	_ = 	snop  }
0x3c: {  	p2 =	seq.s32 s10, $0x1;
	s10 =	sld [smem:$0x3FAD]  }
0x3d: {  	_ =	shalt  }
0x3e: {  	_ =	shalt  }
0x3f: {  	_ =	shalt  }
0x40: {  	_ =	shalt  }
0x41: {  	_ =	shalt  }
0x42: {  	_ =	shalt  }
0x43: {  	_ =	shalt  }
0x44: {  	_ =	shalt  }
0x45: {  	_ =	shalt  }
0x46: {  	_ =	shalt  }
0x47: {  	_ =	shalt  }
0x48: {  	_ =	shalt  }
0x49: {  	_ =	shalt  }
0x4a: {  	_ =	shalt  }
0x4b: {  	_ =	shalt  }
0x4c: {  	_ =	shalt  }
0x4d: {  	_ =	shalt  }
0x4e: {  	_ =	shalt  }
0x4f: {  	_ =	shalt  }
0x50: {  	_ =	shalt  }
0x51: {  	_ =	shalt  }
0x52: {  	_ =	shalt  }
0x53: {  	_ =	shalt  }
0x54: {  	_ =	shalt  }
0x55: {  	_ =	shalt  }
0x56: {  	_ =	shalt  }
0x57: {  	_ =	shalt  }
0x58: {  	_ =	shalt  }
0x59: {  	_ =	shalt  }
0x5a: {  	_ =	shalt  }
0x5b: {  	_ =	shalt  }
0x5c: {  	_ =	shalt  }
0x5d: {  	_ =	shalt  }
0x5e: {  	_ =	shalt  }
0x5f: {  	_ =	shalt  }
0x60: {  	_ =	shalt  }
0x61: {  	_ =	shalt  }
0x62: {  	_ =	shalt  }
0x63: {  	_ =	shalt  }
0x64: {  	_ =	shalt  }
0x65: {  	_ =	shalt  }
0x66: {  	_ =	shalt  }
0x67: {  	_ =	shalt  }
0x68: {  	_ =	shalt  }
0x69: {  	_ =	shalt  }
0x6a: {  	_ =	shalt  }
0x6b: {  	_ =	shalt  }
0x6c: {  	_ =	shalt  }
0x6d: {  	_ =	shalt  }
0x6e: {  	_ =	shalt  }
0x6f: {  	_ =	shalt  }
0x70: {  	_ =	shalt  }
0x71: {  	_ =	shalt  }
0x72: {  	_ =	shalt  }
0x73: {  	_ =	shalt  }
0x74: {  	_ =	shalt  }
0x75: {  	_ =	shalt  }
0x76: {  	_ =	shalt  }
0x77: {  	_ =	shalt  }
0x78: {  	_ =	shalt  }
0x79: {  	_ =	shalt  }
0x7a: {  	_ =	shalt  }
0x7b: {  	_ =	shalt  }
0x7c: {  	_ =	shalt  }
0x7d: {  	_ =	shalt  }
0x7e: {  	_ =	shalt  }
0x7f: {  	_ =	shalt  }
0x80: {  	_ =	shalt  }
0x81: {  	_ =	shalt  }
0x82: {  	_ =	shalt  }
0x83: {  	_ =	shalt  }
0x84: {  	_ =	shalt  }
0x85: {  	_ =	shalt  }
0x86: {  	_ =	shalt  }
0x87: {  	_ =	shalt  }
.Lfunc_end0:
.L_simem_size_0:
called_computation_lowered:
.L_overlay_start_0:
0x88: {  	s2 =	sld [smem:$0x3FD9]  }
0x89: {  	s3 =	sld [smem:$0x3FFE];
	_ =	sdelay $0x1  }
0x8a: {  	s1 =	srdreg.scid  }
0x8b: {  	s0 =	sand.u32 $0x1, s1  }
0x8c: {  	s17 =	sshll.u32 s0, $0xA;
	s2 =	sadd.s32 s3, s2  }
0x8d: {  	s2 =	sadd.s32 s2, s17  }
0x8e: {  	[smem:$0x3FB9] =	sst s2  }
0x8f: {  	_ = 	snop  }
0x90: {  	s18 =	sld [smem:$0x3FC9]  }
0x91: {  	s4 =	sld [smem:$0x3FC8];
	(tm) =	ssettm $0x1  }
0x92: {  	s19 =	sld [smem:$0x3FFB];
	_ =	sdelay $0x3  }
0x93: {  	_ =	strace s19  }
0x94: {  	s2 =	sld [smem:$0x3FFC];
	_ =	sdelay $0x3  }
0x95: {  	_ =	strace s2  }
0x96: {  	s2 =	sld [smem:$0x3FFD];
	_ =	sdelay $0x3  }
0x97: {  	_ =	strace s2  }
0x98: {  	_ =	strace $0x8FFFFFFF  }
0x99: {  	s20 =	sld [smem:$0x3FDB];
	_ =	sdelay $0x1  }
0x9a: {  	s5 =	simm.s32 $_scs_section_size  }
0x9b: {  	s6 =	simm.s32 $_size__tile_overlayer_lowered;
	s7 =	simm.s32 $_tile_overlayer_lowered  }
0x9c: {  	s8 =	simm.s32 $0x1BFF;
	s21 =	sshll.u32 s7, $0x1;
	s5 =	sadd.s32 s5, s20  }
0x9d: {  	s22 =	simm.s32 $0x0;
	s6 =	sshll.u32 s6, $0x1;
	s7 =	sadd.s32 s21, s5  }
0x9e: {  	[timem:s22], [sflag:s8] =	dma.local [hbm:s7], s6  }
0x9f: {  	_ =	swait.ge [sflag:s8], s6  }
0xa0: {  	s6 =	ssub.s32 $0x0, s6;
	[sflag:s8] =	ssyncset.done $0x0  }
0xa1: {  	[sflag:s8] =	ssyncadd.s32 s6;
	_ =	sdelay $0x1  }
0xa2: {  	s23 =	simm.s32 $0x1B8B  }
0xa3: {  	_ =	swait.ge [sflag:s23], $0x1  }
0xa4: {  	[sflag:s23] =	ssyncset.done $0x0  }
0xa5: {  	[sflag:s23] =	ssyncadd.s32 $0xFFFFFFFF  }
0xa6: {  	s6 =	sld [smem:$0x0]  }
0xa7: {  	s7 =	sand.u32 $0xFFFFFFFE, s1  }
0xa8: {  	p0 =	sne.s32 s1, s7  }
0xa9: {  	s7 =	sshll.u32 @p0 s7, $0xE  }
0xaa: {  	s7 =	sadd.s32 @p0 $0x11B8D, s7;
	s8 =	sshll.u32 @p0 s6, $0x11  }
0xab: {  	s7 =	sor.u32 @p0 s8, s7  }
0xac: {  	[sflag:s7] =	ssyncadd.remote.s32 @p0 $0x1;
	_ =	sdelay $0x1  }
0xad: {  	s7 =	simm.s32 @p0 $0x1B8D  }
0xae: {  	_ =	swait.eq @p0 [sflag:s7], $0x1  }
0xaf: {  	[sflag:s7] =	ssyncadd.s32 @p0 $0xFFFFFFFF  }
0xb0: {  	s8 =	sshll.u32 @!p0 s1, $0xE  }
0xb1: {  	s8 =	sor.u32 @!p0 $0x4000, s8;
	s7 =	simm.s32 @!p0 $0x1B8D  }
0xb2: {  	s6 =	sshll.u32 @!p0 s6, $0x11;
	s8 =	sadd.s32 @!p0 $0x11B8D, s8;
	_ =	swait.eq @!p0 [sflag:s7], $0x1  }
0xb3: {  	s6 =	sor.u32 @!p0 s6, s8;
	[sflag:s7] =	ssyncadd.s32 @!p0 $0xFFFFFFFF  }
0xb4: {  	s25 =	simm.s32 $0x1B8E;
	s24 =	sld [smem:$0x3FFE];
	[sflag:s6] =	ssyncadd.remote.s32 @!p0 $0x1  }
0xb5: {  	s26 =	simm.s32 $execute0_lowered;
	[smem:$0x3FD2] =	sst s25  }
0xb6: {  	s7 =	sshll.u32 s26, $0x1;
	_ =	strace $0x80000049;
	[dreg:$0x1] =	wrdreg $0xFFFFFFFF  }
0xb7: {  	s28 =	simm.s32 $_size_execute0_lowered;
	s5 =	sadd.s32 s5, s7;
	[dreg:$0x0] =	wrdreg $0x0  }
0xb8: {  	s7 =	sshll.u32 s28, $0x1;
	[dreg:$0x2] =	wrdreg s5  }
0xb9: {  	[dreg:$0x3] =	wrdreg s7  }
0xba: {  	[dreg:$0x4] =	wrdreg $0xC0  }
0xbb: {  	_ =	task [dreg:s22], $0x5FFFF  }
0xbc: {  	[dreg:$0x1] =	wrdreg $0xFFFFFFFF  }
0xbd: {  	[dreg:$0x0] =	wrdreg $0x60  }
0xbe: {  	[dreg:$0x2] =	wrdreg s18  }
0xbf: {  	[dreg:$0x3] =	wrdreg s4  }
0xc0: {  	[dreg:$0x4] =	wrdreg s24  }
0xc1: {  	[dreg:$0x5] =	wrdreg $0x9  }
0xc2: {  	_ =	task.clear_ibuf [dreg:s22], $0x6FFFF;
	_ =	strace $0x90000049  }
0xc3: {  	s29 =	simm.s32 $0x9;
	_ =	strace $0x8000004B  }
0xc4: {  	_ =	swait.ge [sflag:s29], $0x1  }
0xc5: {  	[sflag:s29] =	ssyncadd.s32 $0xFFFFFFFF  }
0xc6: {  	_ =	strace $0x9000004B  }
0xc7: {  	_ =	sfence  }
0xc8: {  	s30 =	sld [smem:$0x0];
	_ =	sdelay $0x2  }
0xc9: {  	s31 =	sshll.u32 s1, $0xD;
	s1 =	sshrl.u32 s1, $0x2  }
0xca: {  	s4 =	sand.u32 $0x4000, s31;
	s1 =	sadd.s32 s1, s30  }
0xcb: {  	s0 =	sor.u32 s4, s0;
	s1 =	sshll.u32 s1, $0x11  }
0xcc: {  	s0 =	sor.u32 s1, s0  }
0xcd: {  	s0 =	sadd.s32 $0x8F2B, s0  }
0xce: {  	[sflag:s0] =	ssyncadd.remote.s32 $0x1  }
0xcf: {  	_ =	sfence.sel $0xFFFF  }
0xd0: {  	[dreg:$0x0] =	wrdreg $0xFFFFFFFF;
	(pc) =	sbr.abs _section_cstart, $3  }
0xd1: {  	[dreg:$0x1] =	wrdreg $0xFFFFFFFF  }
0xd2: {  	_ =	task.clear_ibuf [dreg:s22], $0x2FFFF;
	_ =	strace $0x9FFFFFFF  }
0xd3: {  	(tm) =	ssettm $0x7FFFFFFF  }
tec
execute0_lowered:
.L_overlay_start_1:
0x0: {  	(tag) =	ssettag $0x1  }
0x1: {  	s1 =	rddreg [dreg:$0x0]  }
0x2: {  	s3 =	rddreg [dreg:$0x1];
	s2 =	srdreg.scid  }
0x3: {  	s0 =	stileid.u32;
	s5 =	rddreg [dreg:$0x2]  }
0x4: {  	s4 =	simm.s32 $0x0;
	s11 =	simm.s32 $0x80;
	s12 =	simm.s32 $0x50  }
0x5: {  	s13 =	simm.s32 $0x100;
	s14 =	simm.s32 $0x2900;
	s7 =	smul.u32 $0x26C0, s0  }
0x6: {  	s15 =	simm.s32 $0x1;
	s6 =	sand.u32 $0x1, s2;
	s9 =	smul.u32 $0x26C00, s0  }
0x7: {  	s16 =	simm.s32 $0x2;
	s2 =	rddreg [dreg:$0x3];
	s8 =	smul.u32 $0x1360, s6  }
0x8: {  	s17 =	simm.s32 $0x0;
	[smem:$0x7FF] =	sst s4;
	s10 =	smul.u32 $0x13600, s6  }
0x9: {  	_ =	strace $0x8000004A;
	s6 =	ssub.s32 $0x2, s6;
	s29 =	sadd.s32 s9, s5  }
0xa: {  	s30 =	sshrl.u32 s6, $0x1;
	s7 =	sadd.s32 s8, s7;
	s8 =	sadd.s32 s10, s29  }
0xb: {  	s6 =	ssub.s32 s6, s30;
	s10 =	simm.s32 $0x3;
	s7 =	sshrl.u32 s7, $0x3  }
0xc: {  	s31 =	sadd.s32 s7, s5;
	s5 =	sadd.s32 $0x4FE600, s8;
	s7 =	sadd.s32 $0x76A600, s8  }
0xd: {  	s6 =	smax.u32 s6, $0x1;
	s8 =	sadd.s32 $0x4F9800, s31;
	s9 =	sadd.s32 $0x4F4A00, s31  }
.LBB2_1:
0xe: {  	s18 =	sadd.s32 $0x0, s9  }
0xf: {  	[tilespmem:s4], [sflag:$0x3] =	stream.linear.gather [hbm4b:s18+s4], $0x50, $0x38;
	[tilespmem:$0x5100] =	vst v63  }
0x10: {  	_ =	swait.ge [sflag:s10], $0x50  }
0x11: {  	[sflag:s10] =	ssyncset.done $0x0  }
0x12: {  	s31 =	sadd.s32 $0x0, s8;
	[sflag:s10] =	ssyncadd.s32 $0xFFFFFFB0  }
0x13: {  	[tilespmem:s11], [sflag:$0x3] =	stream.linear.gather [hbm4b:s31+s4], $0x50, $0x38;
	[tilespmem:$0x5100] =	vst v63  }
0x14: {  	_ =	swait.ge [sflag:s10], $0x50  }
0x15: {  	[sflag:s10] =	ssyncset.done $0x0  }
0x16: {  	[sflag:s10] =	ssyncadd.s32 $0xFFFFFFB0  }
0x17: {  	[tilespmem:s13], [sflag:$0x1] =	stream.indirect.gather [hbm4b:s1+s12], $0x80, s4, s12, $0xb8;
	[tilespmem:$0x5100] =	vst v63  }
0x18: {  	_ = 	snop  }
0x19: {  	[tilespmem:s14], [sflag:$0x2] =	stream.indirect.gather [hbm4b:s3+s12], $0x80, s11, s12, $0xb8;
	[tilespmem:$0x5100] =	vst v63  }
0x1a: {  	_ =	swait.ge [sflag:s15], $0x2800  }
0x1b: {  	[sflag:s15] =	ssyncset.done $0x0  }
0x1c: {  	[sflag:s15] =	ssyncadd.s32 $0xFFFFD800  }
0x1d: {  	_ =	swait.ge [sflag:s16], $0x2800  }
0x1e: {  	[sflag:s16] =	ssyncset.done $0x0  }
0x1f: {  	[sflag:s16] =	ssyncadd.s32 $0xFFFFD800  }
0x20: {  	[hbm4b:s5+s4] =	stream.linear.scatter [tilespmem:s13], [sflag:$0x3], $0x2800, $0x38;
	[tilespmem:$0x5100] =	vst v63  }
0x21: {  	_ =	swait.ge [sflag:s10], $0x2800  }
0x22: {  	[sflag:s10] =	ssyncset.done $0x0  }
0x23: {  	[sflag:s10] =	ssyncadd.s32 $0xFFFFD800  }
0x24: {  	[hbm4b:s7+s4] =	stream.linear.scatter [tilespmem:s14], [sflag:$0x3], $0x2800, $0x38;
	[tilespmem:$0x5100] =	vst v63  }
0x25: {  	s20 =	simm.s32 $0xA;
	s21 =	simm.s32 $0x14;
	_ =	swait.ge [sflag:s10], $0x2800  }
0x26: {  	s19 =	sadd.s32 $0x500, s5;
	s18 =	sadd.s32 $0x500, s7;
	[sflag:s10] =	ssyncset.done $0x0  }
.LBB2_2:
0x27: {  	s22 =	sadd.s32 s20, s9  }
0x28: {  	[sflag:s10] =	ssyncadd.s32 $0xFFFFD800;
	s23 =	smov.u32 s21;
	s24 =	sadd.s32 $0xA, s21  }
0x29: {  	[tilespmem:s4], [sflag:$0x3] =	stream.linear.gather [hbm4b:s22+s4], $0x50, $0x38;
	[tilespmem:$0x5100] =	vst v63  }
0x2a: {  	p0 =	sne.s32 s21, $0x262;
	_ =	swait.ge [sflag:s10], $0x50  }
0x2b: {  	[sflag:s10] =	ssyncset.done $0x0  }
0x2c: {  	s21 =	sadd.s32 s20, s8;
	s20 =	smov.u32 s23;
	[sflag:s10] =	ssyncadd.s32 $0xFFFFFFB0  }
0x2d: {  	[tilespmem:s11], [sflag:$0x3] =	stream.linear.gather [hbm4b:s21+s4], $0x50, $0x38;
	[tilespmem:$0x5100] =	vst v63  }
0x2e: {  	_ =	swait.ge [sflag:s10], $0x50  }
0x2f: {  	[sflag:s10] =	ssyncset.done $0x0  }
0x30: {  	[sflag:s10] =	ssyncadd.s32 $0xFFFFFFB0  }
0x31: {  	[tilespmem:s13], [sflag:$0x1] =	stream.indirect.gather [hbm4b:s1+s12], $0x80, s4, s12, $0xb8;
	[tilespmem:$0x5100] =	vst v63  }
0x32: {  	_ = 	snop  }
0x33: {  	[tilespmem:s14], [sflag:$0x2] =	stream.indirect.gather [hbm4b:s3+s12], $0x80, s11, s12, $0xb8;
	[tilespmem:$0x5100] =	vst v63  }
0x34: {  	_ =	swait.ge [sflag:s15], $0x2800  }
0x35: {  	[sflag:s15] =	ssyncset.done $0x0  }
0x36: {  	[sflag:s15] =	ssyncadd.s32 $0xFFFFD800  }
0x37: {  	_ =	swait.ge [sflag:s16], $0x2800  }
0x38: {  	[sflag:s16] =	ssyncset.done $0x0  }
0x39: {  	[sflag:s16] =	ssyncadd.s32 $0xFFFFD800  }
0x3a: {  	[hbm4b:s19+s4] =	stream.linear.scatter [tilespmem:s13], [sflag:$0x3], $0x2800, $0x38;
	[tilespmem:$0x5100] =	vst v63  }
0x3b: {  	_ =	swait.ge [sflag:s10], $0x2800  }
.Ltmp0:
0x3c: {  	[sflag:s10] =	ssyncset.done $0x0;
	(pc) =	sbr.rel @p0 .LBB2_2-.Ltmp0, $4  }
0x3d: {  	[sflag:s10] =	ssyncadd.s32 $0xFFFFD800  }
0x3e: {  	[hbm4b:s18+s4] =	stream.linear.scatter [tilespmem:s14], [sflag:$0x3], $0x2800, $0x38;
	[tilespmem:$0x5100] =	vst v63  }
0x3f: {  	s21 =	smov.u32 s24;
	_ =	swait.ge [sflag:s10], $0x2800  }
0x40: {  	s19 =	sadd.s32 $0x500, s19;
	s18 =	sadd.s32 $0x500, s18;
	[sflag:s10] =	ssyncset.done $0x0  }
0x41: {  	s21 =	sadd.s32 s20, s9;
	[sflag:s10] =	ssyncadd.s32 $0xFFFFD800  }
0x42: {  	[tilespmem:s4], [sflag:$0x3] =	stream.linear.gather [hbm4b:s21+s4], $0x50, $0x38;
	[tilespmem:$0x5100] =	vst v63  }
0x43: {  	_ =	swait.ge [sflag:s10], $0x50  }
0x44: {  	[sflag:s10] =	ssyncset.done $0x0  }
0x45: {  	s31 =	sadd.s32 s20, s8;
	[sflag:s10] =	ssyncadd.s32 $0xFFFFFFB0  }
0x46: {  	[tilespmem:s11], [sflag:$0x3] =	stream.linear.gather [hbm4b:s31+s4], $0x50, $0x38;
	[tilespmem:$0x5100] =	vst v63  }
0x47: {  	_ =	swait.ge [sflag:s10], $0x50  }
0x48: {  	[sflag:s10] =	ssyncset.done $0x0  }
0x49: {  	[sflag:s10] =	ssyncadd.s32 $0xFFFFFFB0  }
0x4a: {  	[tilespmem:s13], [sflag:$0x1] =	stream.indirect.gather [hbm4b:s1+s12], $0x80, s4, s12, $0xb8;
	[tilespmem:$0x5100] =	vst v63  }
0x4b: {  	_ = 	snop  }
0x4c: {  	[tilespmem:s14], [sflag:$0x2] =	stream.indirect.gather [hbm4b:s3+s12], $0x80, s11, s12, $0xb8;
	[tilespmem:$0x5100] =	vst v63  }
0x4d: {  	_ =	swait.ge [sflag:s15], $0x2800  }
0x4e: {  	[sflag:s15] =	ssyncset.done $0x0  }
0x4f: {  	[sflag:s15] =	ssyncadd.s32 $0xFFFFD800  }
0x50: {  	_ =	swait.ge [sflag:s16], $0x2800  }
0x51: {  	[sflag:s16] =	ssyncset.done $0x0  }
0x52: {  	[sflag:s16] =	ssyncadd.s32 $0xFFFFD800  }
0x53: {  	[hbm4b:s19+s4] =	stream.linear.scatter [tilespmem:s13], [sflag:$0x3], $0x2800, $0x38;
	[tilespmem:$0x5100] =	vst v63  }
0x54: {  	s17 =	sadd.s32 $0x1, s17;
	_ =	swait.ge [sflag:s10], $0x2800  }
0x55: {  	p0 =	sne.s32 s17, s6;
	[sflag:s10] =	ssyncset.done $0x0  }
.Ltmp1:
0x56: {  	[sflag:s10] =	ssyncadd.s32 $0xFFFFD800;
	(pc) =	sbr.rel @p0 .LBB2_1-.Ltmp1, $4  }
0x57: {  	[hbm4b:s18+s4] =	stream.linear.scatter [tilespmem:s14], [sflag:$0x3], $0x2800, $0x38;
	[tilespmem:$0x5100] =	vst v63  }
0x58: {  	_ =	swait.ge [sflag:s10], $0x2800  }
0x59: {  	[sflag:s10] =	ssyncset.done $0x0  }
0x5a: {  	[sflag:s10] =	ssyncadd.s32 $0xFFFFD800  }
0x5b: {  	_ =	sfence.sel $0x180000  }
0x5c: {  	[bflag:$0x0] =	sbarrier.arrive $0xFFFF  }
0x5d: {  	p0 =	sne.s32 s0, $0x0;
	_ =	strace $0x9000004A  }
0x5e: {  	s0 =	sadd.s32 @!p0 $0x100000, s2;
	[bflag:$0x2] =	sbarrier.arrive $0xFFFF  }
0x5f: {  	[sflag:s0] =	ssyncadd.tile.s32 @!p0 $0x1;
	_ =	shalt  }
.Lfunc_end2:
_tile_overlayer_lowered:
.L_overlay_start_2:
0x60: {  	(tag) =	ssettag $0x2  }
0x61: {  	s0 =	rddreg [dreg:$0x0];
	s2 =	stileid.u32  }
0x62: {  	s1 =	rddreg [dreg:$0x1];
	p0 =	sne.s32 s2, $0x0  }
0x63: {  	s3 =	rddreg [dreg:$0x2];
	[bflag:$0x3] =	sbarrier.arrive $0xFFFF;
	s2 =	simm.s32 @!p0 $0x1C03  }
0x64: {  	[timem:s3], [sflag:s2] =	dma.local @!p0 [hbm:s0], s1  }
0x65: {  	s0 =	simm.s32 @!p0 $0x3  }
0x66: {  	_ =	swait.ge @!p0 [sflag:s0], s1  }
0x67: {  	s1 =	ssub.s32 @!p0 $0x0, s1;
	[sflag:s0] =	ssyncset.done @!p0 $0x0  }
0x68: {  	[sflag:s0] =	ssyncadd.s32 @!p0 s1  }
0x69: {  	[bflag:$0x3] =	sbarrier.arrive $0xFFFF  }
0x6a: {  	_ =	shalt  }

</sc_bundles>
